<compile_context>
chip_gen: v7x
topology: tpu7x:2x2x1
jax: 0.10.2.dev20260603
libtpu: 0.0.44.dev20260713+nightly
codegen_flags: <defaults>
</compile_context>

<pallas_src>
import functools

import jax
import jax.numpy as jnp
from jax import lax
from jax.experimental import pallas as pl
from jax.experimental.pallas import tpu as pltpu
from jax.experimental.pallas import tpu_sc as plsc

NW = 32
CT = 8
CHUNK = CT * 128


def _rep_gather(vec, idx):
    return lax.gather(
        vec,
        idx[:, None],
        dimension_numbers=lax.GatherDimensionNumbers(
            offset_dims=(), collapsed_slice_dims=(0,), start_index_map=(0,)),
        slice_sizes=(1,),
        mode=lax.GatherScatterMode.PROMISE_IN_BOUNDS,
    )


def kernel(edge_index, node_type):
    E = edge_index.shape[1]
    T = node_type.shape[1]
    assert T == 4, "kernel specialized for 4 node-type features"
    assert E % CHUNK == 0
    NTILE = E // 128
    n_chunks = E // CHUNK
    k_iters = -(-n_chunks // NW)
    n_pairs = -(-k_iters // 2)

    mesh = plsc.VectorSubcoreMesh(core_axis_name="c", subcore_axis_name="s")

    @functools.partial(
        pl.kernel,
        mesh=mesh,
        compiler_params=pltpu.CompilerParams(use_tc_tiling_on_sc=False,
                                             needs_layout_passes=False),
        out_type=jax.ShapeDtypeStruct((E * T * T,), jnp.float32),
        scratch_types=(
            [pltpu.VMEM((CHUNK,), jnp.int32)] * 4
            + [pltpu.VMEM((CHUNK, 16), jnp.float32)] * 4
            + [pltpu.VMEM((2 * CT * 1024,), jnp.float32)] * 2
            + [pltpu.SemaphoreType.DMA] * 6
        ),
    )
    def sc_kernel(edge0_hbm, edge1_hbm, table_hbm, out_hbm,
                  i0a, i0b, i1a, i1b, r0a, r0b, r1a, r1b, oa, ob,
                  sia, sib, sra, srb, soa, sob):
        idx0, idx1 = [i0a, i0b], [i1a, i1b]
        rows0, rows1 = [r0a, r0b], [r1a, r1b]
        outv = [oa, ob]
        s_idx, s_rows, s_out = [sia, sib], [sra, srb], [soa, sob]

        wid = lax.axis_index("s") * 2 + lax.axis_index("c")
        lane = lax.iota(jnp.int32, 16)
        hi = lax.shift_right_logical(lane, 2)
        pat = (lax.shift_right_logical(lane, 3) * (CT * 1024)
               + lax.bitwise_and(lane, 7) * 128)

        def chunk_of(k):
            return k * NW + wid

        def issue_idx(k, b):
            base = chunk_of(k) * CHUNK
            pltpu.async_copy(edge0_hbm.at[pl.ds(base, CHUNK)], idx0[b],
                             s_idx[b])
            pltpu.async_copy(edge1_hbm.at[pl.ds(base, CHUNK)], idx1[b],
                             s_idx[b])

        def wait_idx(b):
            pltpu.make_async_copy(edge0_hbm.at[pl.ds(0, CHUNK)], idx0[b],
                                  s_idx[b]).wait()
            pltpu.make_async_copy(edge1_hbm.at[pl.ds(0, CHUNK)], idx1[b],
                                  s_idx[b]).wait()

        def issue_rows(b):
            pltpu.async_copy(table_hbm.at[idx0[b]], rows0[b], s_rows[b])
            pltpu.async_copy(table_hbm.at[idx1[b]], rows1[b], s_rows[b])

        def wait_rows(b):
            pltpu.make_async_copy(table_hbm.at[pl.ds(0, CHUNK)], rows0[b],
                                  s_rows[b]).wait()
            pltpu.make_async_copy(table_hbm.at[pl.ds(0, CHUNK)], rows1[b],
                                  s_rows[b]).wait()

        def issue_out(k, b):
            j0 = chunk_of(k) * CT
            for p in range(2):
                pltpu.async_copy(
                    outv[b].at[pl.ds(p * CT * 1024, CT * 1024)],
                    out_hbm.at[pl.ds((p * NTILE + j0) * 1024, CT * 1024)],
                    s_out[b])

        def wait_out(b):
            for p in range(2):
                pltpu.make_async_copy(
                    outv[b].at[pl.ds(p * CT * 1024, CT * 1024)],
                    out_hbm.at[pl.ds(p * 1024, CT * 1024)],
                    s_out[b]).wait()

        def compute(b):
            r0, r1, ov = rows0[b], rows1[b], outv[b]

            @plsc.parallel_loop(0, CHUNK, 1, unroll=8)
            def edge_body(e):
                t0 = r0[e, :]
                t1 = r1[e, :]
                mx_t = jnp.maximum(t0, t1)
                mn_t = jnp.minimum(t0, t1)
                val = _rep_gather(mn_t, hi) * mx_t
                s = (lax.shift_right_logical(e, 7) * 1024
                     + lax.bitwise_and(e, 127))
                plsc.store_scatter(ov, [pat + s], val)

        def exists(k):
            return chunk_of(k) < n_chunks

        issue_idx(0, 0)
        wait_idx(0)
        issue_rows(0)
        issue_idx(1, 1)

        def pair_body(i, carry):
            for b in range(2):
                nb = 1 - b
                k = 2 * i + b

                @pl.when(exists(k + 1))
                def _():
                    wait_idx(nb)
                    issue_rows(nb)

                @pl.when((k >= 2) & exists(k))
                def _():
                    wait_out(b)

                @pl.when(exists(k))
                def _():
                    wait_rows(b)
                    compute(b)
                    issue_out(k, b)

                @pl.when(exists(k + 2))
                def _():
                    issue_idx(k + 2, b)
            return carry

        lax.fori_loop(0, n_pairs, pair_body, 0)
        wait_out(0)
        wait_out(1)

    table16 = jnp.tile(node_type, (1, 4))
    e0 = jnp.bitwise_and(edge_index[0], jnp.int32(0x7FFFFFFF))
    e1 = jnp.bitwise_and(edge_index[1], jnp.int32(0x7FFFFFFF))
    out1d = sc_kernel(e0, e1, table16)
    out4d = out1d.reshape(2, NTILE, 8, 128)
    return out4d.transpose((1, 3, 0, 2)).reshape(E, T * T)

# --- scband reference (transcript-rebuilt; emitter-appended) ---
"""Pipeline reference for scband-edge-encoder-75359496175940 (READ-ONLY COPY).

The authoritative reference and input builder live on the scoring server;
editing this copy changes nothing except your own understanding.
"""

import jax, jax.numpy as jnp
import numpy as np

N_NODES = 100000
N_EDGES = 3200000
T = 4

def setup_inputs(seed: int = 0) -> dict:
    key = jax.random.key(seed)
    k1, k2 = jax.random.split(key)
    edge_index = jax.random.randint(k1, (2, N_EDGES), 0, N_NODES, dtype=jnp.int64 if jax.config.jax_enable_x64 else jnp.int32).astype(jnp.int32)
    node_type = jax.random.uniform(k2, (N_NODES, T), dtype=jnp.float32)
    return {"edge_index": edge_index, "node_type": node_type}

def get_edge_node_type(edge_index, node_type):
    node1 = jnp.take(node_type, edge_index[0], axis=0)
    node2 = jnp.take(node_type, edge_index[1], axis=0)
    return node1, node2

def reference(edge_index, node_type):
    # directed = False
    node1, node2 = get_edge_node_type(edge_index, node_type)
    min_node = jnp.minimum(node1, node2)
    max_node = jnp.maximum(node1, node2)
    encoded_edges = jnp.einsum('ki,kj->kij', min_node, max_node).reshape(min_node.shape[0], -1)
    return encoded_edges

if __name__ == "__main__":
    import jax
    _d = setup_inputs()
    print(jax.jit(kernel)(*tuple(_d.values())))

</pallas_src>

<mosaic_0001>
#map = affine_map<(d0, d1) -> (0)>
#map1 = affine_map<(d0, d1) -> (0, 0)>
module attributes {stable_mosaic.version = 14 : i64} {
  func.func @sc_kernel(%arg0: i32, %arg1: i32, %arg2: memref<3200000xi32, #tpu.memory_space<hbm>>, %arg3: memref<3200000xi32, #tpu.memory_space<hbm>>, %arg4: memref<100000x16xf32, #tpu.memory_space<hbm>>, %arg5: memref<51200000xf32, #tpu.memory_space<hbm>>, %arg6: memref<1024xi32, #tpu.memory_space<vmem>>, %arg7: memref<1024xi32, #tpu.memory_space<vmem>>, %arg8: memref<1024xi32, #tpu.memory_space<vmem>>, %arg9: memref<1024xi32, #tpu.memory_space<vmem>>, %arg10: memref<1024x16xf32, #tpu.memory_space<vmem>>, %arg11: memref<1024x16xf32, #tpu.memory_space<vmem>>, %arg12: memref<1024x16xf32, #tpu.memory_space<vmem>>, %arg13: memref<1024x16xf32, #tpu.memory_space<vmem>>, %arg14: memref<16384xf32, #tpu.memory_space<vmem>>, %arg15: memref<16384xf32, #tpu.memory_space<vmem>>, %arg16: memref<!tpu.dma_semaphore, #tpu.memory_space<semaphore_mem>>, %arg17: memref<!tpu.dma_semaphore, #tpu.memory_space<semaphore_mem>>, %arg18: memref<!tpu.dma_semaphore, #tpu.memory_space<semaphore_mem>>, %arg19: memref<!tpu.dma_semaphore, #tpu.memory_space<semaphore_mem>>, %arg20: memref<!tpu.dma_semaphore, #tpu.memory_space<semaphore_mem>>, %arg21: memref<!tpu.dma_semaphore, #tpu.memory_space<semaphore_mem>>) attributes {dimension_semantics = [#tpu.dimension_semantics<core_parallel>, #tpu.dimension_semantics<subcore_parallel>], iteration_bounds = array<i64: 2, 16>, scalar_prefetch = 0 : i64, scratch_operands = 16 : i64, tpu.core_type = #tpu.core_type<sc_vector_subcore>, window_params = [{transform_indices = #map}, {transform_indices = #map}, {transform_indices = #map1}, {transform_indices = #map}]} {
    %mul3A = arith.constant 2 : i32
    %mul3A_0 = arith.muli %arg1, %mul3A : i32
    %add3A = arith.addi %mul3A_0, %arg0 : i32
    %iota3A = tpu.iota {dimensions = array<i32: 0>} : vector<16xi32>
    %shift_right_logical3A = arith.constant 2 : i32
    %shift_right_logical3A_1 = vector.broadcast %shift_right_logical3A : i32 to vector<16xi32>
    %shift_right_logical3A_2 = arith.shrui %iota3A, %shift_right_logical3A_1 : vector<16xi32>
    %shift_right_logical3A_3 = arith.constant 3 : i32
    %shift_right_logical3A_4 = vector.broadcast %shift_right_logical3A_3 : i32 to vector<16xi32>
    %shift_right_logical3A_5 = arith.shrui %iota3A, %shift_right_logical3A_4 : vector<16xi32>
    %mul3A_6 = arith.constant 8192 : i32
    %mul3A_7 = vector.broadcast %mul3A_6 : i32 to vector<16xi32>
    %mul3A_8 = arith.muli %shift_right_logical3A_5, %mul3A_7 : vector<16xi32>
    %and3A = arith.constant 7 : i32
    %and3A_9 = vector.broadcast %and3A : i32 to vector<16xi32>
    %and3A_10 = arith.andi %iota3A, %and3A_9 : vector<16xi32>
    %mul3A_11 = arith.constant 128 : i32
    %mul3A_12 = vector.broadcast %mul3A_11 : i32 to vector<16xi32>
    %mul3A_13 = arith.muli %and3A_10, %mul3A_12 : vector<16xi32>
    %add3A_14 = arith.addi %mul3A_8, %mul3A_13 : vector<16xi32>
    %add3A_15 = arith.constant 0 : i32
    %add3A_16 = arith.addi %add3A_15, %add3A : i32
    %mul3A_17 = arith.constant 1024 : i32
    %mul3A_18 = arith.muli %add3A_16, %mul3A_17 : i32
    %dma_start3A = tpu.memref_slice %arg2[%mul3A_18] : memref<3200000xi32, #tpu.memory_space<hbm>> -> memref<1024xi32, #tpu.memory_space<hbm>>
    %dma_start3A_19 = tpu.memref_slice %arg2[%mul3A_18] : memref<3200000xi32, #tpu.memory_space<hbm>> -> memref<1024xi32, #tpu.memory_space<hbm>>
    tpu.enqueue_dma source(%dma_start3A_19 : memref<1024xi32, #tpu.memory_space<hbm>>) target(%arg6 : memref<1024xi32, #tpu.memory_space<vmem>>) target_semaphore(%arg16 : memref<!tpu.dma_semaphore, #tpu.memory_space<semaphore_mem>>)
    %dma_start3A_20 = tpu.memref_slice %arg3[%mul3A_18] : memref<3200000xi32, #tpu.memory_space<hbm>> -> memref<1024xi32, #tpu.memory_space<hbm>>
    %dma_start3A_21 = tpu.memref_slice %arg3[%mul3A_18] : memref<3200000xi32, #tpu.memory_space<hbm>> -> memref<1024xi32, #tpu.memory_space<hbm>>
    tpu.enqueue_dma source(%dma_start3A_21 : memref<1024xi32, #tpu.memory_space<hbm>>) target(%arg8 : memref<1024xi32, #tpu.memory_space<vmem>>) target_semaphore(%arg16 : memref<!tpu.dma_semaphore, #tpu.memory_space<semaphore_mem>>)
    %dma_wait3A = arith.constant 0 : i32
    %dma_wait3A_22 = tpu.memref_slice %arg2[%dma_wait3A] : memref<3200000xi32, #tpu.memory_space<hbm>> -> memref<1024xi32, #tpu.memory_space<hbm>>
    %dma_wait3A_23 = arith.constant 0 : i32
    %dma_wait3A_24 = tpu.memref_slice %arg2[%dma_wait3A_23] : memref<3200000xi32, #tpu.memory_space<hbm>> -> memref<1024xi32, #tpu.memory_space<hbm>>
    tpu.wait_dma2 semaphore(%arg16 : memref<!tpu.dma_semaphore, #tpu.memory_space<semaphore_mem>>) src(%dma_wait3A_24 : memref<1024xi32, #tpu.memory_space<hbm>>) dst(%arg6 : memref<1024xi32, #tpu.memory_space<vmem>>)
    %dma_wait3A_25 = arith.constant 0 : i32
    %dma_wait3A_26 = tpu.memref_slice %arg3[%dma_wait3A_25] : memref<3200000xi32, #tpu.memory_space<hbm>> -> memref<1024xi32, #tpu.memory_space<hbm>>
    %dma_wait3A_27 = arith.constant 0 : i32
    %dma_wait3A_28 = tpu.memref_slice %arg3[%dma_wait3A_27] : memref<3200000xi32, #tpu.memory_space<hbm>> -> memref<1024xi32, #tpu.memory_space<hbm>>
    tpu.wait_dma2 semaphore(%arg16 : memref<!tpu.dma_semaphore, #tpu.memory_space<semaphore_mem>>) src(%dma_wait3A_28 : memref<1024xi32, #tpu.memory_space<hbm>>) dst(%arg8 : memref<1024xi32, #tpu.memory_space<vmem>>)
    %dma_start3A_29 = arith.constant 0 : i32
    %dma_start3A_30 = arith.constant 0 : i32
    %dma_start3A_31 = tpu.memref_slice %arg4[%dma_start3A_29, %dma_start3A_30] : memref<100000x16xf32, #tpu.memory_space<hbm>> -> memref<100000x16xf32, #tpu.memory_space<hbm>>
    tpu.enqueue_indirect_dma source(%dma_start3A_31 : memref<100000x16xf32, #tpu.memory_space<hbm>>) target(%arg10 : memref<1024x16xf32, #tpu.memory_space<vmem>>) offsets(%arg6 : memref<1024xi32, #tpu.memory_space<vmem>>) semaphore(%arg18 : memref<!tpu.dma_semaphore, #tpu.memory_space<semaphore_mem>>)
    %dma_start3A_32 = arith.constant 0 : i32
    %dma_start3A_33 = arith.constant 0 : i32
    %dma_start3A_34 = tpu.memref_slice %arg4[%dma_start3A_32, %dma_start3A_33] : memref<100000x16xf32, #tpu.memory_space<hbm>> -> memref<100000x16xf32, #tpu.memory_space<hbm>>
    tpu.enqueue_indirect_dma source(%dma_start3A_34 : memref<100000x16xf32, #tpu.memory_space<hbm>>) target(%arg12 : memref<1024x16xf32, #tpu.memory_space<vmem>>) offsets(%arg8 : memref<1024xi32, #tpu.memory_space<vmem>>) semaphore(%arg18 : memref<!tpu.dma_semaphore, #tpu.memory_space<semaphore_mem>>)
    %add3A_35 = arith.constant 32 : i32
    %add3A_36 = arith.addi %add3A_35, %add3A : i32
    %mul3A_37 = arith.constant 1024 : i32
    %mul3A_38 = arith.muli %add3A_36, %mul3A_37 : i32
    %dma_start3A_39 = tpu.memref_slice %arg2[%mul3A_38] : memref<3200000xi32, #tpu.memory_space<hbm>> -> memref<1024xi32, #tpu.memory_space<hbm>>
    %dma_start3A_40 = tpu.memref_slice %arg2[%mul3A_38] : memref<3200000xi32, #tpu.memory_space<hbm>> -> memref<1024xi32, #tpu.memory_space<hbm>>
    tpu.enqueue_dma source(%dma_start3A_40 : memref<1024xi32, #tpu.memory_space<hbm>>) target(%arg7 : memref<1024xi32, #tpu.memory_space<vmem>>) target_semaphore(%arg17 : memref<!tpu.dma_semaphore, #tpu.memory_space<semaphore_mem>>)
    %dma_start3A_41 = tpu.memref_slice %arg3[%mul3A_38] : memref<3200000xi32, #tpu.memory_space<hbm>> -> memref<1024xi32, #tpu.memory_space<hbm>>
    %dma_start3A_42 = tpu.memref_slice %arg3[%mul3A_38] : memref<3200000xi32, #tpu.memory_space<hbm>> -> memref<1024xi32, #tpu.memory_space<hbm>>
    tpu.enqueue_dma source(%dma_start3A_42 : memref<1024xi32, #tpu.memory_space<hbm>>) target(%arg9 : memref<1024xi32, #tpu.memory_space<vmem>>) target_semaphore(%arg17 : memref<!tpu.dma_semaphore, #tpu.memory_space<semaphore_mem>>)
    %scan3A = arith.constant 0 : i32
    %scan3A_43 = arith.constant 0 : i32
    %scan3A_44 = arith.constant 49 : i32
    %scan3A_45 = arith.addi %scan3A_43, %scan3A_44 : i32
    %scan3A_46 = arith.constant 1 : i32
    scf.for %scan3A_80 = %scan3A_43 to %scan3A_45 step %scan3A_46  : i32 {
      %mul3A_81 = arith.constant 2 : i32
      %mul3A_82 = arith.muli %mul3A_81, %scan3A_80 : i32
      %add3A_83 = arith.constant 0 : i32
      %add3A_84 = arith.addi %mul3A_82, %add3A_83 : i32
      %add3A_85 = arith.constant 1 : i32
      %add3A_86 = arith.addi %add3A_84, %add3A_85 : i32
      %mul3A_87 = arith.constant 32 : i32
      %mul3A_88 = arith.muli %add3A_86, %mul3A_87 : i32
      %add3A_89 = arith.addi %mul3A_88, %add3A : i32
      %lt3A = arith.constant 3125 : i32
      %lt3A_90 = arith.cmpi slt, %add3A_89, %lt3A : i32
      %convert_element_type3A = arith.extui %lt3A_90 : i1 to i32
      %cond3A = arith.constant 0 : i32
      %cond3A_91 = arith.cmpi ne, %convert_element_type3A, %cond3A : i32
      scf.if %cond3A_91 {
        %dma_wait3A_163 = arith.constant 0 : i32
        %dma_wait3A_164 = tpu.memref_slice %arg2[%dma_wait3A_163] : memref<3200000xi32, #tpu.memory_space<hbm>> -> memref<1024xi32, #tpu.memory_space<hbm>>
        %dma_wait3A_165 = arith.constant 0 : i32
        %dma_wait3A_166 = tpu.memref_slice %arg2[%dma_wait3A_165] : memref<3200000xi32, #tpu.memory_space<hbm>> -> memref<1024xi32, #tpu.memory_space<hbm>>
        tpu.wait_dma2 semaphore(%arg17 : memref<!tpu.dma_semaphore, #tpu.memory_space<semaphore_mem>>) src(%dma_wait3A_166 : memref<1024xi32, #tpu.memory_space<hbm>>) dst(%arg7 : memref<1024xi32, #tpu.memory_space<vmem>>)
        %dma_wait3A_167 = arith.constant 0 : i32
        %dma_wait3A_168 = tpu.memref_slice %arg3[%dma_wait3A_167] : memref<3200000xi32, #tpu.memory_space<hbm>> -> memref<1024xi32, #tpu.memory_space<hbm>>
        %dma_wait3A_169 = arith.constant 0 : i32
        %dma_wait3A_170 = tpu.memref_slice %arg3[%dma_wait3A_169] : memref<3200000xi32, #tpu.memory_space<hbm>> -> memref<1024xi32, #tpu.memory_space<hbm>>
        tpu.wait_dma2 semaphore(%arg17 : memref<!tpu.dma_semaphore, #tpu.memory_space<semaphore_mem>>) src(%dma_wait3A_170 : memref<1024xi32, #tpu.memory_space<hbm>>) dst(%arg9 : memref<1024xi32, #tpu.memory_space<vmem>>)
        %dma_start3A_171 = arith.constant 0 : i32
        %dma_start3A_172 = arith.constant 0 : i32
        %dma_start3A_173 = tpu.memref_slice %arg4[%dma_start3A_171, %dma_start3A_172] : memref<100000x16xf32, #tpu.memory_space<hbm>> -> memref<100000x16xf32, #tpu.memory_space<hbm>>
        tpu.enqueue_indirect_dma source(%dma_start3A_173 : memref<100000x16xf32, #tpu.memory_space<hbm>>) target(%arg11 : memref<1024x16xf32, #tpu.memory_space<vmem>>) offsets(%arg7 : memref<1024xi32, #tpu.memory_space<vmem>>) semaphore(%arg19 : memref<!tpu.dma_semaphore, #tpu.memory_space<semaphore_mem>>)
        %dma_start3A_174 = arith.constant 0 : i32
        %dma_start3A_175 = arith.constant 0 : i32
        %dma_start3A_176 = tpu.memref_slice %arg4[%dma_start3A_174, %dma_start3A_175] : memref<100000x16xf32, #tpu.memory_space<hbm>> -> memref<100000x16xf32, #tpu.memory_space<hbm>>
        tpu.enqueue_indirect_dma source(%dma_start3A_176 : memref<100000x16xf32, #tpu.memory_space<hbm>>) target(%arg13 : memref<1024x16xf32, #tpu.memory_space<vmem>>) offsets(%arg9 : memref<1024xi32, #tpu.memory_space<vmem>>) semaphore(%arg19 : memref<!tpu.dma_semaphore, #tpu.memory_space<semaphore_mem>>)
      } else {
      }
      %ge3A = arith.constant 2 : i32
      %ge3A_92 = arith.cmpi sge, %add3A_84, %ge3A : i32
      %mul3A_93 = arith.constant 32 : i32
      %mul3A_94 = arith.muli %add3A_84, %mul3A_93 : i32
      %add3A_95 = arith.addi %mul3A_94, %add3A : i32
      %lt3A_96 = arith.constant 3125 : i32
      %lt3A_97 = arith.cmpi slt, %add3A_95, %lt3A_96 : i32
      %and3A_98 = arith.andi %ge3A_92, %lt3A_97 : i1
      %convert_element_type3A_99 = arith.extui %and3A_98 : i1 to i32
      %cond3A_100 = arith.constant 0 : i32
      %cond3A_101 = arith.cmpi ne, %convert_element_type3A_99, %cond3A_100 : i32
      scf.if %cond3A_101 {
        %dma_wait3A_163 = arith.constant 0 : i32
        %dma_wait3A_164 = tpu.memref_slice %arg14[%dma_wait3A_163] : memref<16384xf32, #tpu.memory_space<vmem>> -> memref<8192xf32, #tpu.memory_space<vmem>>
        %dma_wait3A_165 = arith.constant 0 : i32
        %dma_wait3A_166 = tpu.memref_slice %arg5[%dma_wait3A_165] : memref<51200000xf32, #tpu.memory_space<hbm>> -> memref<8192xf32, #tpu.memory_space<hbm>>
        %dma_wait3A_167 = arith.constant 0 : i32
        %dma_wait3A_168 = tpu.memref_slice %arg5[%dma_wait3A_167] : memref<51200000xf32, #tpu.memory_space<hbm>> -> memref<8192xf32, #tpu.memory_space<hbm>>
        %dma_wait3A_169 = arith.constant 0 : i32
        %dma_wait3A_170 = tpu.memref_slice %arg14[%dma_wait3A_169] : memref<16384xf32, #tpu.memory_space<vmem>> -> memref<8192xf32, #tpu.memory_space<vmem>>
        tpu.wait_dma2 semaphore(%arg20 : memref<!tpu.dma_semaphore, #tpu.memory_space<semaphore_mem>>) src(%dma_wait3A_170 : memref<8192xf32, #tpu.memory_space<vmem>>) dst(%dma_wait3A_168 : memref<8192xf32, #tpu.memory_space<hbm>>)
        %dma_wait3A_171 = arith.constant 8192 : i32
        %dma_wait3A_172 = tpu.memref_slice %arg14[%dma_wait3A_171] : memref<16384xf32, #tpu.memory_space<vmem>> -> memref<8192xf32, #tpu.memory_space<vmem>>
        %dma_wait3A_173 = arith.constant 1024 : i32
        %dma_wait3A_174 = tpu.memref_slice %arg5[%dma_wait3A_173] : memref<51200000xf32, #tpu.memory_space<hbm>> -> memref<8192xf32, #tpu.memory_space<hbm>>
        %dma_wait3A_175 = arith.constant 1024 : i32
        %dma_wait3A_176 = tpu.memref_slice %arg5[%dma_wait3A_175] : memref<51200000xf32, #tpu.memory_space<hbm>> -> memref<8192xf32, #tpu.memory_space<hbm>>
        %dma_wait3A_177 = arith.constant 8192 : i32
        %dma_wait3A_178 = tpu.memref_slice %arg14[%dma_wait3A_177] : memref<16384xf32, #tpu.memory_space<vmem>> -> memref<8192xf32, #tpu.memory_space<vmem>>
        tpu.wait_dma2 semaphore(%arg20 : memref<!tpu.dma_semaphore, #tpu.memory_space<semaphore_mem>>) src(%dma_wait3A_178 : memref<8192xf32, #tpu.memory_space<vmem>>) dst(%dma_wait3A_176 : memref<8192xf32, #tpu.memory_space<hbm>>)
      } else {
      }
      %mul3A_102 = arith.constant 32 : i32
      %mul3A_103 = arith.muli %add3A_84, %mul3A_102 : i32
      %add3A_104 = arith.addi %mul3A_103, %add3A : i32
      %lt3A_105 = arith.constant 3125 : i32
      %lt3A_106 = arith.cmpi slt, %add3A_104, %lt3A_105 : i32
      %convert_element_type3A_107 = arith.extui %lt3A_106 : i1 to i32
      %cond3A_108 = arith.constant 0 : i32
      %cond3A_109 = arith.cmpi ne, %convert_element_type3A_107, %cond3A_108 : i32
      scf.if %cond3A_109 {
        %dma_wait3A_163 = arith.constant 0 : i32
        %dma_wait3A_164 = arith.constant 0 : i32
        %dma_wait3A_165 = tpu.memref_slice %arg4[%dma_wait3A_163, %dma_wait3A_164] : memref<100000x16xf32, #tpu.memory_space<hbm>> -> memref<1024x16xf32, #tpu.memory_space<hbm>>
        %dma_wait3A_166 = arith.constant 0 : i32
        %dma_wait3A_167 = arith.constant 0 : i32
        %dma_wait3A_168 = tpu.memref_slice %arg4[%dma_wait3A_166, %dma_wait3A_167] : memref<100000x16xf32, #tpu.memory_space<hbm>> -> memref<1024x16xf32, #tpu.memory_space<hbm>>
        tpu.wait_dma2 semaphore(%arg18 : memref<!tpu.dma_semaphore, #tpu.memory_space<semaphore_mem>>) src(%dma_wait3A_168 : memref<1024x16xf32, #tpu.memory_space<hbm>>) dst(%arg10 : memref<1024x16xf32, #tpu.memory_space<vmem>>)
        %dma_wait3A_169 = arith.constant 0 : i32
        %dma_wait3A_170 = arith.constant 0 : i32
        %dma_wait3A_171 = tpu.memref_slice %arg4[%dma_wait3A_169, %dma_wait3A_170] : memref<100000x16xf32, #tpu.memory_space<hbm>> -> memref<1024x16xf32, #tpu.memory_space<hbm>>
        %dma_wait3A_172 = arith.constant 0 : i32
        %dma_wait3A_173 = arith.constant 0 : i32
        %dma_wait3A_174 = tpu.memref_slice %arg4[%dma_wait3A_172, %dma_wait3A_173] : memref<100000x16xf32, #tpu.memory_space<hbm>> -> memref<1024x16xf32, #tpu.memory_space<hbm>>
        tpu.wait_dma2 semaphore(%arg18 : memref<!tpu.dma_semaphore, #tpu.memory_space<semaphore_mem>>) src(%dma_wait3A_174 : memref<1024x16xf32, #tpu.memory_space<hbm>>) dst(%arg12 : memref<1024x16xf32, #tpu.memory_space<vmem>>)
        %parallel_loop3A = arith.constant 0 : i32
        %parallel_loop3A_175 = arith.constant 1024 : i32
        %parallel_loop3A_176 = arith.constant 1 : i32
        scf.for %parallel_loop3A_202 = %parallel_loop3A to %parallel_loop3A_175 step %parallel_loop3A_176  : i32 {
          %parallel_loop3A_203 = arith.index_cast %parallel_loop3A_202 : i32 to index
          %parallel_loop3A_204 = arith.constant 0 : index
          %parallel_loop3A_205 = tpu.vector_load %arg10[%parallel_loop3A_203, %parallel_loop3A_204] {strides = array<i32>} : memref<1024x16xf32, #tpu.memory_space<vmem>>, vector<16xf32>,
          %parallel_loop3A_206 = arith.index_cast %parallel_loop3A_202 : i32 to index
          %parallel_loop3A_207 = arith.constant 0 : index
          %parallel_loop3A_208 = tpu.vector_load %arg12[%parallel_loop3A_206, %parallel_loop3A_207] {strides = array<i32>} : memref<1024x16xf32, #tpu.memory_space<vmem>>, vector<16xf32>,
          %parallel_loop3A_209 = arith.maximumf %parallel_loop3A_205, %parallel_loop3A_208 : vector<16xf32>
          %parallel_loop3A_210 = arith.minimumf %parallel_loop3A_205, %parallel_loop3A_208 : vector<16xf32>
          %parallel_loop3A_211 = vector.shape_cast %shift_right_logical3A_2 : vector<16xi32> to vector<16x1xi32>
          %parallel_loop3A_212 = vector.shape_cast %parallel_loop3A_211 : vector<16x1xi32> to vector<16xi32>
          %parallel_loop3A_213 = tpu.dynamic_gather %parallel_loop3A_210[%parallel_loop3A_212] in [0] : vector<16xf32>, vector<16xi32> -> vector<16xf32>
          %parallel_loop3A_214 = arith.mulf %parallel_loop3A_213, %parallel_loop3A_209 : vector<16xf32>
          %parallel_loop3A_215 = arith.constant 7 : i32
          %parallel_loop3A_216 = arith.shrui %parallel_loop3A_202, %parallel_loop3A_215 : i32
          %parallel_loop3A_217 = arith.constant 1024 : i32
          %parallel_loop3A_218 = arith.muli %parallel_loop3A_216, %parallel_loop3A_217 : i32
          %parallel_loop3A_219 = arith.constant 127 : i32
          %parallel_loop3A_220 = arith.andi %parallel_loop3A_202, %parallel_loop3A_219 : i32
          %parallel_loop3A_221 = arith.addi %parallel_loop3A_218, %parallel_loop3A_220 : i32
          %parallel_loop3A_222 = vector.broadcast %parallel_loop3A_221 : i32 to vector<16xi32>
          %parallel_loop3A_223 = arith.addi %add3A_14, %parallel_loop3A_222 : vector<16xi32>
          tpu.vector_store_idx %arg14[%parallel_loop3A_223], %parallel_loop3A_214 : memref<16384xf32, #tpu.memory_space<vmem>>[vector<16xi32>], vector<16xf32>,
        } {sc.loop_unroll_factor = 8 : i64, sc.parallel_access}
        %mul3A_177 = arith.constant 32 : i32
        %mul3A_178 = arith.muli %add3A_84, %mul3A_177 : i32
        %add3A_179 = arith.addi %mul3A_178, %add3A : i32
        %mul3A_180 = arith.constant 8 : i32
        %mul3A_181 = arith.muli %add3A_179, %mul3A_180 : i32
        %add3A_182 = arith.constant 0 : i32
        %add3A_183 = arith.addi %add3A_182, %mul3A_181 : i32
        %mul3A_184 = arith.constant 1024 : i32
        %mul3A_185 = arith.muli %add3A_183, %mul3A_184 : i32
        %dma_start3A_186 = arith.constant 0 : i32
        %dma_start3A_187 = tpu.memref_slice %arg14[%dma_start3A_186] : memref<16384xf32, #tpu.memory_space<vmem>> -> memref<8192xf32, #tpu.memory_space<vmem>>
        %dma_start3A_188 = tpu.memref_slice %arg5[%mul3A_185] : memref<51200000xf32, #tpu.memory_space<hbm>> -> memref<8192xf32, #tpu.memory_space<hbm>>
        %dma_start3A_189 = tpu.memref_slice %arg5[%mul3A_185] : memref<51200000xf32, #tpu.memory_space<hbm>> -> memref<8192xf32, #tpu.memory_space<hbm>>
        %dma_start3A_190 = arith.constant 0 : i32
        %dma_start3A_191 = tpu.memref_slice %arg14[%dma_start3A_190] : memref<16384xf32, #tpu.memory_space<vmem>> -> memref<8192xf32, #tpu.memory_space<vmem>>
        tpu.enqueue_dma source(%dma_start3A_191 : memref<8192xf32, #tpu.memory_space<vmem>>) target(%dma_start3A_189 : memref<8192xf32, #tpu.memory_space<hbm>>) target_semaphore(%arg20 : memref<!tpu.dma_semaphore, #tpu.memory_space<semaphore_mem>>)
        %add3A_192 = arith.constant 25000 : i32
        %add3A_193 = arith.addi %add3A_192, %mul3A_181 : i32
        %mul3A_194 = arith.constant 1024 : i32
        %mul3A_195 = arith.muli %add3A_193, %mul3A_194 : i32
        %dma_start3A_196 = arith.constant 8192 : i32
        %dma_start3A_197 = tpu.memref_slice %arg14[%dma_start3A_196] : memref<16384xf32, #tpu.memory_space<vmem>> -> memref<8192xf32, #tpu.memory_space<vmem>>
        %dma_start3A_198 = tpu.memref_slice %arg5[%mul3A_195] : memref<51200000xf32, #tpu.memory_space<hbm>> -> memref<8192xf32, #tpu.memory_space<hbm>>
        %dma_start3A_199 = tpu.memref_slice %arg5[%mul3A_195] : memref<51200000xf32, #tpu.memory_space<hbm>> -> memref<8192xf32, #tpu.memory_space<hbm>>
        %dma_start3A_200 = arith.constant 8192 : i32
        %dma_start3A_201 = tpu.memref_slice %arg14[%dma_start3A_200] : memref<16384xf32, #tpu.memory_space<vmem>> -> memref<8192xf32, #tpu.memory_space<vmem>>
        tpu.enqueue_dma source(%dma_start3A_201 : memref<8192xf32, #tpu.memory_space<vmem>>) target(%dma_start3A_199 : memref<8192xf32, #tpu.memory_space<hbm>>) target_semaphore(%arg20 : memref<!tpu.dma_semaphore, #tpu.memory_space<semaphore_mem>>)
      } else {
      }
      %add3A_110 = arith.constant 2 : i32
      %add3A_111 = arith.addi %add3A_84, %add3A_110 : i32
      %mul3A_112 = arith.constant 32 : i32
      %mul3A_113 = arith.muli %add3A_111, %mul3A_112 : i32
      %add3A_114 = arith.addi %mul3A_113, %add3A : i32
      %lt3A_115 = arith.constant 3125 : i32
      %lt3A_116 = arith.cmpi slt, %add3A_114, %lt3A_115 : i32
      %convert_element_type3A_117 = arith.extui %lt3A_116 : i1 to i32
      %cond3A_118 = arith.constant 0 : i32
      %cond3A_119 = arith.cmpi ne, %convert_element_type3A_117, %cond3A_118 : i32
      scf.if %cond3A_119 {
        %add3A_163 = arith.constant 2 : i32
        %add3A_164 = arith.addi %add3A_84, %add3A_163 : i32
        %mul3A_165 = arith.constant 32 : i32
        %mul3A_166 = arith.muli %add3A_164, %mul3A_165 : i32
        %add3A_167 = arith.addi %mul3A_166, %add3A : i32
        %mul3A_168 = arith.constant 1024 : i32
        %mul3A_169 = arith.muli %add3A_167, %mul3A_168 : i32
        %dma_start3A_170 = tpu.memref_slice %arg2[%mul3A_169] : memref<3200000xi32, #tpu.memory_space<hbm>> -> memref<1024xi32, #tpu.memory_space<hbm>>
        %dma_start3A_171 = tpu.memref_slice %arg2[%mul3A_169] : memref<3200000xi32, #tpu.memory_space<hbm>> -> memref<1024xi32, #tpu.memory_space<hbm>>
        tpu.enqueue_dma source(%dma_start3A_171 : memref<1024xi32, #tpu.memory_space<hbm>>) target(%arg6 : memref<1024xi32, #tpu.memory_space<vmem>>) target_semaphore(%arg16 : memref<!tpu.dma_semaphore, #tpu.memory_space<semaphore_mem>>)
        %dma_start3A_172 = tpu.memref_slice %arg3[%mul3A_169] : memref<3200000xi32, #tpu.memory_space<hbm>> -> memref<1024xi32, #tpu.memory_space<hbm>>
        %dma_start3A_173 = tpu.memref_slice %arg3[%mul3A_169] : memref<3200000xi32, #tpu.memory_space<hbm>> -> memref<1024xi32, #tpu.memory_space<hbm>>
        tpu.enqueue_dma source(%dma_start3A_173 : memref<1024xi32, #tpu.memory_space<hbm>>) target(%arg8 : memref<1024xi32, #tpu.memory_space<vmem>>) target_semaphore(%arg16 : memref<!tpu.dma_semaphore, #tpu.memory_space<semaphore_mem>>)
      } else {
      }
      %mul3A_120 = arith.constant 2 : i32
      %mul3A_121 = arith.muli %mul3A_120, %scan3A_80 : i32
      %add3A_122 = arith.constant 1 : i32
      %add3A_123 = arith.addi %mul3A_121, %add3A_122 : i32
      %add3A_124 = arith.constant 1 : i32
      %add3A_125 = arith.addi %add3A_123, %add3A_124 : i32
      %mul3A_126 = arith.constant 32 : i32
      %mul3A_127 = arith.muli %add3A_125, %mul3A_126 : i32
      %add3A_128 = arith.addi %mul3A_127, %add3A : i32
      %lt3A_129 = arith.constant 3125 : i32
      %lt3A_130 = arith.cmpi slt, %add3A_128, %lt3A_129 : i32
      %convert_element_type3A_131 = arith.extui %lt3A_130 : i1 to i32
      %cond3A_132 = arith.constant 0 : i32
      %cond3A_133 = arith.cmpi ne, %convert_element_type3A_131, %cond3A_132 : i32
      scf.if %cond3A_133 {
        %dma_wait3A_163 = arith.constant 0 : i32
        %dma_wait3A_164 = tpu.memref_slice %arg2[%dma_wait3A_163] : memref<3200000xi32, #tpu.memory_space<hbm>> -> memref<1024xi32, #tpu.memory_space<hbm>>
        %dma_wait3A_165 = arith.constant 0 : i32
        %dma_wait3A_166 = tpu.memref_slice %arg2[%dma_wait3A_165] : memref<3200000xi32, #tpu.memory_space<hbm>> -> memref<1024xi32, #tpu.memory_space<hbm>>
        tpu.wait_dma2 semaphore(%arg16 : memref<!tpu.dma_semaphore, #tpu.memory_space<semaphore_mem>>) src(%dma_wait3A_166 : memref<1024xi32, #tpu.memory_space<hbm>>) dst(%arg6 : memref<1024xi32, #tpu.memory_space<vmem>>)
        %dma_wait3A_167 = arith.constant 0 : i32
        %dma_wait3A_168 = tpu.memref_slice %arg3[%dma_wait3A_167] : memref<3200000xi32, #tpu.memory_space<hbm>> -> memref<1024xi32, #tpu.memory_space<hbm>>
        %dma_wait3A_169 = arith.constant 0 : i32
        %dma_wait3A_170 = tpu.memref_slice %arg3[%dma_wait3A_169] : memref<3200000xi32, #tpu.memory_space<hbm>> -> memref<1024xi32, #tpu.memory_space<hbm>>
        tpu.wait_dma2 semaphore(%arg16 : memref<!tpu.dma_semaphore, #tpu.memory_space<semaphore_mem>>) src(%dma_wait3A_170 : memref<1024xi32, #tpu.memory_space<hbm>>) dst(%arg8 : memref<1024xi32, #tpu.memory_space<vmem>>)
        %dma_start3A_171 = arith.constant 0 : i32
        %dma_start3A_172 = arith.constant 0 : i32
        %dma_start3A_173 = tpu.memref_slice %arg4[%dma_start3A_171, %dma_start3A_172] : memref<100000x16xf32, #tpu.memory_space<hbm>> -> memref<100000x16xf32, #tpu.memory_space<hbm>>
        tpu.enqueue_indirect_dma source(%dma_start3A_173 : memref<100000x16xf32, #tpu.memory_space<hbm>>) target(%arg10 : memref<1024x16xf32, #tpu.memory_space<vmem>>) offsets(%arg6 : memref<1024xi32, #tpu.memory_space<vmem>>) semaphore(%arg18 : memref<!tpu.dma_semaphore, #tpu.memory_space<semaphore_mem>>)
        %dma_start3A_174 = arith.constant 0 : i32
        %dma_start3A_175 = arith.constant 0 : i32
        %dma_start3A_176 = tpu.memref_slice %arg4[%dma_start3A_174, %dma_start3A_175] : memref<100000x16xf32, #tpu.memory_space<hbm>> -> memref<100000x16xf32, #tpu.memory_space<hbm>>
        tpu.enqueue_indirect_dma source(%dma_start3A_176 : memref<100000x16xf32, #tpu.memory_space<hbm>>) target(%arg12 : memref<1024x16xf32, #tpu.memory_space<vmem>>) offsets(%arg8 : memref<1024xi32, #tpu.memory_space<vmem>>) semaphore(%arg18 : memref<!tpu.dma_semaphore, #tpu.memory_space<semaphore_mem>>)
      } else {
      }
      %ge3A_134 = arith.constant 2 : i32
      %ge3A_135 = arith.cmpi sge, %add3A_123, %ge3A_134 : i32
      %mul3A_136 = arith.constant 32 : i32
      %mul3A_137 = arith.muli %add3A_123, %mul3A_136 : i32
      %add3A_138 = arith.addi %mul3A_137, %add3A : i32
      %lt3A_139 = arith.constant 3125 : i32
      %lt3A_140 = arith.cmpi slt, %add3A_138, %lt3A_139 : i32
      %and3A_141 = arith.andi %ge3A_135, %lt3A_140 : i1
      %convert_element_type3A_142 = arith.extui %and3A_141 : i1 to i32
      %cond3A_143 = arith.constant 0 : i32
      %cond3A_144 = arith.cmpi ne, %convert_element_type3A_142, %cond3A_143 : i32
      scf.if %cond3A_144 {
        %dma_wait3A_163 = arith.constant 0 : i32
        %dma_wait3A_164 = tpu.memref_slice %arg15[%dma_wait3A_163] : memref<16384xf32, #tpu.memory_space<vmem>> -> memref<8192xf32, #tpu.memory_space<vmem>>
        %dma_wait3A_165 = arith.constant 0 : i32
        %dma_wait3A_166 = tpu.memref_slice %arg5[%dma_wait3A_165] : memref<51200000xf32, #tpu.memory_space<hbm>> -> memref<8192xf32, #tpu.memory_space<hbm>>
        %dma_wait3A_167 = arith.constant 0 : i32
        %dma_wait3A_168 = tpu.memref_slice %arg5[%dma_wait3A_167] : memref<51200000xf32, #tpu.memory_space<hbm>> -> memref<8192xf32, #tpu.memory_space<hbm>>
        %dma_wait3A_169 = arith.constant 0 : i32
        %dma_wait3A_170 = tpu.memref_slice %arg15[%dma_wait3A_169] : memref<16384xf32, #tpu.memory_space<vmem>> -> memref<8192xf32, #tpu.memory_space<vmem>>
        tpu.wait_dma2 semaphore(%arg21 : memref<!tpu.dma_semaphore, #tpu.memory_space<semaphore_mem>>) src(%dma_wait3A_170 : memref<8192xf32, #tpu.memory_space<vmem>>) dst(%dma_wait3A_168 : memref<8192xf32, #tpu.memory_space<hbm>>)
        %dma_wait3A_171 = arith.constant 8192 : i32
        %dma_wait3A_172 = tpu.memref_slice %arg15[%dma_wait3A_171] : memref<16384xf32, #tpu.memory_space<vmem>> -> memref<8192xf32, #tpu.memory_space<vmem>>
        %dma_wait3A_173 = arith.constant 1024 : i32
        %dma_wait3A_174 = tpu.memref_slice %arg5[%dma_wait3A_173] : memref<51200000xf32, #tpu.memory_space<hbm>> -> memref<8192xf32, #tpu.memory_space<hbm>>
        %dma_wait3A_175 = arith.constant 1024 : i32
        %dma_wait3A_176 = tpu.memref_slice %arg5[%dma_wait3A_175] : memref<51200000xf32, #tpu.memory_space<hbm>> -> memref<8192xf32, #tpu.memory_space<hbm>>
        %dma_wait3A_177 = arith.constant 8192 : i32
        %dma_wait3A_178 = tpu.memref_slice %arg15[%dma_wait3A_177] : memref<16384xf32, #tpu.memory_space<vmem>> -> memref<8192xf32, #tpu.memory_space<vmem>>
        tpu.wait_dma2 semaphore(%arg21 : memref<!tpu.dma_semaphore, #tpu.memory_space<semaphore_mem>>) src(%dma_wait3A_178 : memref<8192xf32, #tpu.memory_space<vmem>>) dst(%dma_wait3A_176 : memref<8192xf32, #tpu.memory_space<hbm>>)
      } else {
      }
      %mul3A_145 = arith.constant 32 : i32
      %mul3A_146 = arith.muli %add3A_123, %mul3A_145 : i32
      %add3A_147 = arith.addi %mul3A_146, %add3A : i32
      %lt3A_148 = arith.constant 3125 : i32
      %lt3A_149 = arith.cmpi slt, %add3A_147, %lt3A_148 : i32
      %convert_element_type3A_150 = arith.extui %lt3A_149 : i1 to i32
      %cond3A_151 = arith.constant 0 : i32
      %cond3A_152 = arith.cmpi ne, %convert_element_type3A_150, %cond3A_151 : i32
      scf.if %cond3A_152 {
        %dma_wait3A_163 = arith.constant 0 : i32
        %dma_wait3A_164 = arith.constant 0 : i32
        %dma_wait3A_165 = tpu.memref_slice %arg4[%dma_wait3A_163, %dma_wait3A_164] : memref<100000x16xf32, #tpu.memory_space<hbm>> -> memref<1024x16xf32, #tpu.memory_space<hbm>>
        %dma_wait3A_166 = arith.constant 0 : i32
        %dma_wait3A_167 = arith.constant 0 : i32
        %dma_wait3A_168 = tpu.memref_slice %arg4[%dma_wait3A_166, %dma_wait3A_167] : memref<100000x16xf32, #tpu.memory_space<hbm>> -> memref<1024x16xf32, #tpu.memory_space<hbm>>
        tpu.wait_dma2 semaphore(%arg19 : memref<!tpu.dma_semaphore, #tpu.memory_space<semaphore_mem>>) src(%dma_wait3A_168 : memref<1024x16xf32, #tpu.memory_space<hbm>>) dst(%arg11 : memref<1024x16xf32, #tpu.memory_space<vmem>>)
        %dma_wait3A_169 = arith.constant 0 : i32
        %dma_wait3A_170 = arith.constant 0 : i32
        %dma_wait3A_171 = tpu.memref_slice %arg4[%dma_wait3A_169, %dma_wait3A_170] : memref<100000x16xf32, #tpu.memory_space<hbm>> -> memref<1024x16xf32, #tpu.memory_space<hbm>>
        %dma_wait3A_172 = arith.constant 0 : i32
        %dma_wait3A_173 = arith.constant 0 : i32
        %dma_wait3A_174 = tpu.memref_slice %arg4[%dma_wait3A_172, %dma_wait3A_173] : memref<100000x16xf32, #tpu.memory_space<hbm>> -> memref<1024x16xf32, #tpu.memory_space<hbm>>
        tpu.wait_dma2 semaphore(%arg19 : memref<!tpu.dma_semaphore, #tpu.memory_space<semaphore_mem>>) src(%dma_wait3A_174 : memref<1024x16xf32, #tpu.memory_space<hbm>>) dst(%arg13 : memref<1024x16xf32, #tpu.memory_space<vmem>>)
        %parallel_loop3A = arith.constant 0 : i32
        %parallel_loop3A_175 = arith.constant 1024 : i32
        %parallel_loop3A_176 = arith.constant 1 : i32
        scf.for %parallel_loop3A_202 = %parallel_loop3A to %parallel_loop3A_175 step %parallel_loop3A_176  : i32 {
          %parallel_loop3A_203 = arith.index_cast %parallel_loop3A_202 : i32 to index
          %parallel_loop3A_204 = arith.constant 0 : index
          %parallel_loop3A_205 = tpu.vector_load %arg11[%parallel_loop3A_203, %parallel_loop3A_204] {strides = array<i32>} : memref<1024x16xf32, #tpu.memory_space<vmem>>, vector<16xf32>,
          %parallel_loop3A_206 = arith.index_cast %parallel_loop3A_202 : i32 to index
          %parallel_loop3A_207 = arith.constant 0 : index
          %parallel_loop3A_208 = tpu.vector_load %arg13[%parallel_loop3A_206, %parallel_loop3A_207] {strides = array<i32>} : memref<1024x16xf32, #tpu.memory_space<vmem>>, vector<16xf32>,
          %parallel_loop3A_209 = arith.maximumf %parallel_loop3A_205, %parallel_loop3A_208 : vector<16xf32>
          %parallel_loop3A_210 = arith.minimumf %parallel_loop3A_205, %parallel_loop3A_208 : vector<16xf32>
          %parallel_loop3A_211 = vector.shape_cast %shift_right_logical3A_2 : vector<16xi32> to vector<16x1xi32>
          %parallel_loop3A_212 = vector.shape_cast %parallel_loop3A_211 : vector<16x1xi32> to vector<16xi32>
          %parallel_loop3A_213 = tpu.dynamic_gather %parallel_loop3A_210[%parallel_loop3A_212] in [0] : vector<16xf32>, vector<16xi32> -> vector<16xf32>
          %parallel_loop3A_214 = arith.mulf %parallel_loop3A_213, %parallel_loop3A_209 : vector<16xf32>
          %parallel_loop3A_215 = arith.constant 7 : i32
          %parallel_loop3A_216 = arith.shrui %parallel_loop3A_202, %parallel_loop3A_215 : i32
          %parallel_loop3A_217 = arith.constant 1024 : i32
          %parallel_loop3A_218 = arith.muli %parallel_loop3A_216, %parallel_loop3A_217 : i32
          %parallel_loop3A_219 = arith.constant 127 : i32
          %parallel_loop3A_220 = arith.andi %parallel_loop3A_202, %parallel_loop3A_219 : i32
          %parallel_loop3A_221 = arith.addi %parallel_loop3A_218, %parallel_loop3A_220 : i32
          %parallel_loop3A_222 = vector.broadcast %parallel_loop3A_221 : i32 to vector<16xi32>
          %parallel_loop3A_223 = arith.addi %add3A_14, %parallel_loop3A_222 : vector<16xi32>
          tpu.vector_store_idx %arg15[%parallel_loop3A_223], %parallel_loop3A_214 : memref<16384xf32, #tpu.memory_space<vmem>>[vector<16xi32>], vector<16xf32>,
        } {sc.loop_unroll_factor = 8 : i64, sc.parallel_access}
        %mul3A_177 = arith.constant 32 : i32
        %mul3A_178 = arith.muli %add3A_123, %mul3A_177 : i32
        %add3A_179 = arith.addi %mul3A_178, %add3A : i32
        %mul3A_180 = arith.constant 8 : i32
        %mul3A_181 = arith.muli %add3A_179, %mul3A_180 : i32
        %add3A_182 = arith.constant 0 : i32
        %add3A_183 = arith.addi %add3A_182, %mul3A_181 : i32
        %mul3A_184 = arith.constant 1024 : i32
        %mul3A_185 = arith.muli %add3A_183, %mul3A_184 : i32
        %dma_start3A_186 = arith.constant 0 : i32
        %dma_start3A_187 = tpu.memref_slice %arg15[%dma_start3A_186] : memref<16384xf32, #tpu.memory_space<vmem>> -> memref<8192xf32, #tpu.memory_space<vmem>>
        %dma_start3A_188 = tpu.memref_slice %arg5[%mul3A_185] : memref<51200000xf32, #tpu.memory_space<hbm>> -> memref<8192xf32, #tpu.memory_space<hbm>>
        %dma_start3A_189 = tpu.memref_slice %arg5[%mul3A_185] : memref<51200000xf32, #tpu.memory_space<hbm>> -> memref<8192xf32, #tpu.memory_space<hbm>>
        %dma_start3A_190 = arith.constant 0 : i32
        %dma_start3A_191 = tpu.memref_slice %arg15[%dma_start3A_190] : memref<16384xf32, #tpu.memory_space<vmem>> -> memref<8192xf32, #tpu.memory_space<vmem>>
        tpu.enqueue_dma source(%dma_start3A_191 : memref<8192xf32, #tpu.memory_space<vmem>>) target(%dma_start3A_189 : memref<8192xf32, #tpu.memory_space<hbm>>) target_semaphore(%arg21 : memref<!tpu.dma_semaphore, #tpu.memory_space<semaphore_mem>>)
        %add3A_192 = arith.constant 25000 : i32
        %add3A_193 = arith.addi %add3A_192, %mul3A_181 : i32
        %mul3A_194 = arith.constant 1024 : i32
        %mul3A_195 = arith.muli %add3A_193, %mul3A_194 : i32
        %dma_start3A_196 = arith.constant 8192 : i32
        %dma_start3A_197 = tpu.memref_slice %arg15[%dma_start3A_196] : memref<16384xf32, #tpu.memory_space<vmem>> -> memref<8192xf32, #tpu.memory_space<vmem>>
        %dma_start3A_198 = tpu.memref_slice %arg5[%mul3A_195] : memref<51200000xf32, #tpu.memory_space<hbm>> -> memref<8192xf32, #tpu.memory_space<hbm>>
        %dma_start3A_199 = tpu.memref_slice %arg5[%mul3A_195] : memref<51200000xf32, #tpu.memory_space<hbm>> -> memref<8192xf32, #tpu.memory_space<hbm>>
        %dma_start3A_200 = arith.constant 8192 : i32
        %dma_start3A_201 = tpu.memref_slice %arg15[%dma_start3A_200] : memref<16384xf32, #tpu.memory_space<vmem>> -> memref<8192xf32, #tpu.memory_space<vmem>>
        tpu.enqueue_dma source(%dma_start3A_201 : memref<8192xf32, #tpu.memory_space<vmem>>) target(%dma_start3A_199 : memref<8192xf32, #tpu.memory_space<hbm>>) target_semaphore(%arg21 : memref<!tpu.dma_semaphore, #tpu.memory_space<semaphore_mem>>)
      } else {
      }
      %add3A_153 = arith.constant 2 : i32
      %add3A_154 = arith.addi %add3A_123, %add3A_153 : i32
      %mul3A_155 = arith.constant 32 : i32
      %mul3A_156 = arith.muli %add3A_154, %mul3A_155 : i32
      %add3A_157 = arith.addi %mul3A_156, %add3A : i32
      %lt3A_158 = arith.constant 3125 : i32
      %lt3A_159 = arith.cmpi slt, %add3A_157, %lt3A_158 : i32
      %convert_element_type3A_160 = arith.extui %lt3A_159 : i1 to i32
      %cond3A_161 = arith.constant 0 : i32
      %cond3A_162 = arith.cmpi ne, %convert_element_type3A_160, %cond3A_161 : i32
      scf.if %cond3A_162 {
        %add3A_163 = arith.constant 2 : i32
        %add3A_164 = arith.addi %add3A_123, %add3A_163 : i32
        %mul3A_165 = arith.constant 32 : i32
        %mul3A_166 = arith.muli %add3A_164, %mul3A_165 : i32
        %add3A_167 = arith.addi %mul3A_166, %add3A : i32
        %mul3A_168 = arith.constant 1024 : i32
        %mul3A_169 = arith.muli %add3A_167, %mul3A_168 : i32
        %dma_start3A_170 = tpu.memref_slice %arg2[%mul3A_169] : memref<3200000xi32, #tpu.memory_space<hbm>> -> memref<1024xi32, #tpu.memory_space<hbm>>
        %dma_start3A_171 = tpu.memref_slice %arg2[%mul3A_169] : memref<3200000xi32, #tpu.memory_space<hbm>> -> memref<1024xi32, #tpu.memory_space<hbm>>
        tpu.enqueue_dma source(%dma_start3A_171 : memref<1024xi32, #tpu.memory_space<hbm>>) target(%arg7 : memref<1024xi32, #tpu.memory_space<vmem>>) target_semaphore(%arg17 : memref<!tpu.dma_semaphore, #tpu.memory_space<semaphore_mem>>)
        %dma_start3A_172 = tpu.memref_slice %arg3[%mul3A_169] : memref<3200000xi32, #tpu.memory_space<hbm>> -> memref<1024xi32, #tpu.memory_space<hbm>>
        %dma_start3A_173 = tpu.memref_slice %arg3[%mul3A_169] : memref<3200000xi32, #tpu.memory_space<hbm>> -> memref<1024xi32, #tpu.memory_space<hbm>>
        tpu.enqueue_dma source(%dma_start3A_173 : memref<1024xi32, #tpu.memory_space<hbm>>) target(%arg9 : memref<1024xi32, #tpu.memory_space<vmem>>) target_semaphore(%arg17 : memref<!tpu.dma_semaphore, #tpu.memory_space<semaphore_mem>>)
      } else {
      }
    }
    %scan3A_47 = arith.constant 49 : i32
    %dma_wait3A_48 = arith.constant 0 : i32
    %dma_wait3A_49 = tpu.memref_slice %arg14[%dma_wait3A_48] : memref<16384xf32, #tpu.memory_space<vmem>> -> memref<8192xf32, #tpu.memory_space<vmem>>
    %dma_wait3A_50 = arith.constant 0 : i32
    %dma_wait3A_51 = tpu.memref_slice %arg5[%dma_wait3A_50] : memref<51200000xf32, #tpu.memory_space<hbm>> -> memref<8192xf32, #tpu.memory_space<hbm>>
    %dma_wait3A_52 = arith.constant 0 : i32
    %dma_wait3A_53 = tpu.memref_slice %arg5[%dma_wait3A_52] : memref<51200000xf32, #tpu.memory_space<hbm>> -> memref<8192xf32, #tpu.memory_space<hbm>>
    %dma_wait3A_54 = arith.constant 0 : i32
    %dma_wait3A_55 = tpu.memref_slice %arg14[%dma_wait3A_54] : memref<16384xf32, #tpu.memory_space<vmem>> -> memref<8192xf32, #tpu.memory_space<vmem>>
    tpu.wait_dma2 semaphore(%arg20 : memref<!tpu.dma_semaphore, #tpu.memory_space<semaphore_mem>>) src(%dma_wait3A_55 : memref<8192xf32, #tpu.memory_space<vmem>>) dst(%dma_wait3A_53 : memref<8192xf32, #tpu.memory_space<hbm>>)
    %dma_wait3A_56 = arith.constant 8192 : i32
    %dma_wait3A_57 = tpu.memref_slice %arg14[%dma_wait3A_56] : memref<16384xf32, #tpu.memory_space<vmem>> -> memref<8192xf32, #tpu.memory_space<vmem>>
    %dma_wait3A_58 = arith.constant 1024 : i32
    %dma_wait3A_59 = tpu.memref_slice %arg5[%dma_wait3A_58] : memref<51200000xf32, #tpu.memory_space<hbm>> -> memref<8192xf32, #tpu.memory_space<hbm>>
    %dma_wait3A_60 = arith.constant 1024 : i32
    %dma_wait3A_61 = tpu.memref_slice %arg5[%dma_wait3A_60] : memref<51200000xf32, #tpu.memory_space<hbm>> -> memref<8192xf32, #tpu.memory_space<hbm>>
    %dma_wait3A_62 = arith.constant 8192 : i32
    %dma_wait3A_63 = tpu.memref_slice %arg14[%dma_wait3A_62] : memref<16384xf32, #tpu.memory_space<vmem>> -> memref<8192xf32, #tpu.memory_space<vmem>>
    tpu.wait_dma2 semaphore(%arg20 : memref<!tpu.dma_semaphore, #tpu.memory_space<semaphore_mem>>) src(%dma_wait3A_63 : memref<8192xf32, #tpu.memory_space<vmem>>) dst(%dma_wait3A_61 : memref<8192xf32, #tpu.memory_space<hbm>>)
    %dma_wait3A_64 = arith.constant 0 : i32
    %dma_wait3A_65 = tpu.memref_slice %arg15[%dma_wait3A_64] : memref<16384xf32, #tpu.memory_space<vmem>> -> memref<8192xf32, #tpu.memory_space<vmem>>
    %dma_wait3A_66 = arith.constant 0 : i32
    %dma_wait3A_67 = tpu.memref_slice %arg5[%dma_wait3A_66] : memref<51200000xf32, #tpu.memory_space<hbm>> -> memref<8192xf32, #tpu.memory_space<hbm>>
    %dma_wait3A_68 = arith.constant 0 : i32
    %dma_wait3A_69 = tpu.memref_slice %arg5[%dma_wait3A_68] : memref<51200000xf32, #tpu.memory_space<hbm>> -> memref<8192xf32, #tpu.memory_space<hbm>>
    %dma_wait3A_70 = arith.constant 0 : i32
    %dma_wait3A_71 = tpu.memref_slice %arg15[%dma_wait3A_70] : memref<16384xf32, #tpu.memory_space<vmem>> -> memref<8192xf32, #tpu.memory_space<vmem>>
    tpu.wait_dma2 semaphore(%arg21 : memref<!tpu.dma_semaphore, #tpu.memory_space<semaphore_mem>>) src(%dma_wait3A_71 : memref<8192xf32, #tpu.memory_space<vmem>>) dst(%dma_wait3A_69 : memref<8192xf32, #tpu.memory_space<hbm>>)
    %dma_wait3A_72 = arith.constant 8192 : i32
    %dma_wait3A_73 = tpu.memref_slice %arg15[%dma_wait3A_72] : memref<16384xf32, #tpu.memory_space<vmem>> -> memref<8192xf32, #tpu.memory_space<vmem>>
    %dma_wait3A_74 = arith.constant 1024 : i32
    %dma_wait3A_75 = tpu.memref_slice %arg5[%dma_wait3A_74] : memref<51200000xf32, #tpu.memory_space<hbm>> -> memref<8192xf32, #tpu.memory_space<hbm>>
    %dma_wait3A_76 = arith.constant 1024 : i32
    %dma_wait3A_77 = tpu.memref_slice %arg5[%dma_wait3A_76] : memref<51200000xf32, #tpu.memory_space<hbm>> -> memref<8192xf32, #tpu.memory_space<hbm>>
    %dma_wait3A_78 = arith.constant 8192 : i32
    %dma_wait3A_79 = tpu.memref_slice %arg15[%dma_wait3A_78] : memref<16384xf32, #tpu.memory_space<vmem>> -> memref<8192xf32, #tpu.memory_space<vmem>>
    tpu.wait_dma2 semaphore(%arg21 : memref<!tpu.dma_semaphore, #tpu.memory_space<semaphore_mem>>) src(%dma_wait3A_79 : memref<8192xf32, #tpu.memory_space<vmem>>) dst(%dma_wait3A_77 : memref<8192xf32, #tpu.memory_space<hbm>>)
    return
  }
}

</mosaic_0001>

<sc_bundles>
// kernel: kernel.3.cloned.1.call-start
scs
__scs_entry_jumppad:
0x0: {  	(pc) =	sbr.rel $0x88, $3  }
0x1: {  	(tag) =	ssettag $0x0;
	lr =	simm.s32 $0x1  }
0x2: {  	[smem:$0x3F9F] =	sst lr;
	_ =	strace $0xD0000000  }
0x3: {  	_ = 	snop  }
0x4: {  	_ = 	snop  }
0x5: {  	_ = 	snop  }
0x6: {  	_ = 	snop  }
0x7: {  	_ = 	snop  }
__scs_overlays_trampoline_lowered:
0x8: {  	[smem:$0x3FAE] =	sst s0  }
0x9: {  	[smem:$0x3FAF] =	sst s1  }
0xa: {  	[smem:$0x3FB0] =	sst s2  }
0xb: {  	[smem:$0x3FB1] =	sst s3  }
0xc: {  	[smem:$0x3FB2] =	sst s4  }
0xd: {  	[smem:$0x3FB3] =	sst s5  }
0xe: {  	[smem:$0x3FB4] =	sst s6  }
0xf: {  	[smem:$0x3FB5] =	sst s7  }
0x10: {  	[smem:$0x3FB6] =	sst s8  }
0x11: {  	[smem:$0x3FB7] =	sst s9;
	s0 =	simm.s32 @!p0 $0x0  }
0x12: {  	s1 =	sld [smem:$0x3F9D];
	s0 =	simm.s32 @p0 $0x1  }
0x13: {  	[smem:$0x3FB8] =	sst s0;
	s0 =	simm.s32 @!p1 $0x0  }
0x14: {  	s2 =	sld [smem:$0x3F9C];
	s0 =	simm.s32 @p1 $0x1  }
0x15: {  	[smem:$0x3FB9] =	sst s0;
	s0 =	simm.s32 @!p2 $0x0  }
0x16: {  	s3 =	sld [smem:$0x3FDB];
	s0 =	simm.s32 @p2 $0x1  }
0x17: {  	s4 =	simm.s32 $0x1BF5;
	[smem:$0x3FBB] =	sst s0  }
0x18: {  	s0 =	sld [smem:$0x3F9E];
	_ =	swait.ge [sflag:s4], $0x0  }
0x19: {  	s7 =	sld [smem:$0x3F9F]  }
0x1a: {  	s8 =	sadd.s32 $0xFFFFE003, lr  }
0x1b: {  	s9 =	sadd.s32 $0xFFFFFEF7, lr;
	s5 =	simm.s32 $0xFFFFFFFF;
	p2 =	slt.u32 s8, $0xFFFFF086  }
0x1c: {  	p1 =	slt.u32 s9, $0xF7A;
	s5 =	simm.s32 @!p2 $0x0  }
0x1d: {  	s5 =	simm.s32 @p1 $0x1;
	p0 =	seq.s32 s7, s2  }
0x1e: {  	s7 =	smul.u32 @!p0 $0xF7A, s2;
	p2 =	seq.s32 @!p0 s5, $0x0  }
0x1f: {  	s9 =	smul.u32 $0xF7A, s1;
	s8 =	simm.s32 @!p0 $0x1BF5;
	p2 =	por !p2, p0  }
0x20: {  	[sflag:s8] =	ssyncset.s32 @!p0 $0xFFFFF086;
	s6 =	sadd.s32 @!p0 s3, s7;
	s7 =	simm.s32 @!p0 $0x108  }
0x21: {  	s3 =	sadd.s32 s3, s9;
	s6 =	sadd.s32 @!p0 $0x88, s6;
	s7 =	simm.s32 @p2 $0x1082  }
0x22: {  	[simem:s7], [sflag:s8] =	dma.local @!p0 [hbm:s6], $0xF7A  }
0x23: {  	s9 =	sor.u32 $0xD0000000, s2;
	s6 =	simm.s32 $0x108;
	_ =	swait.ge @!p0 [sflag:s8], $0x0  }
0x24: {  	s3 =	sadd.s32 $0x88, s3;
	s6 =	simm.s32 @!p1 $0x1082;
	[sflag:s4] =	ssyncset.s32 $0xFFFFF086  }
0x25: {  	[simem:s6], [sflag:s4] =	dma.local [hbm:s3], $0xF7A  }
0x26: {  	[smem:$0x3F9F] =	sst s1;
	(tag) =	ssettag s2;
	_ =	strace s9  }
0x27: {  	s1 =	sld [smem:$0x3FAF]  }
0x28: {  	s2 =	sld [smem:$0x3FB0]  }
0x29: {  	s4 =	sld [smem:$0x3FB2]  }
0x2a: {  	p0 =	seq.s32 s5, $0x0;
	s5 =	sld [smem:$0x3FB3]  }
0x2b: {  	s6 =	sld [smem:$0x3FB4]  }
0x2c: {  	s7 =	sld [smem:$0x3FB5]  }
0x2d: {  	s3 =	simm.s32 $0x108;
	s8 =	sld [smem:$0x3FB6]  }
0x2e: {  	s3 =	simm.s32 @!p0 $0x1082;
	s9 =	sld [smem:$0x3FB7]  }
0x2f: {  	lr =	sadd.s32 s0, s3;
	s0 =	sld [smem:$0x3FAE]  }
0x30: {  	s3 =	sld [smem:$0x3FB1]  }
0x31: {  	[smem:$0x3FBA] =	sst s10  }
0x32: {  	s10 =	sld [smem:$0x3FB8];
	_ =	sdelay $0x3  }
0x33: {  	p0 =	seq.s32 s10, $0x1;
	s10 =	sld [smem:$0x3FBA];
	_ =	sdelay $0x3  }
0x34: {  	[smem:$0x3FBA] =	sst s10  }
0x35: {  	s10 =	sld [smem:$0x3FB9];
	_ =	sdelay $0x3  }
0x36: {  	p1 =	seq.s32 s10, $0x1;
	s10 =	sld [smem:$0x3FBA];
	_ =	sdelay $0x3  }
0x37: {  	[smem:$0x3FBA] =	sst s10  }
0x38: {  	s10 =	sld [smem:$0x3FBB]  }
0x39: {  	_ = 	snop;
	(pc) =	sbr.ind lr, $3  }
0x3a: {  	_ = 	snop  }
0x3b: {  	_ = 	snop  }
0x3c: {  	p2 =	seq.s32 s10, $0x1;
	s10 =	sld [smem:$0x3FBA]  }
0x3d: {  	_ =	shalt  }
0x3e: {  	_ =	shalt  }
0x3f: {  	_ =	shalt  }
0x40: {  	_ =	shalt  }
0x41: {  	_ =	shalt  }
0x42: {  	_ =	shalt  }
0x43: {  	_ =	shalt  }
0x44: {  	_ =	shalt  }
0x45: {  	_ =	shalt  }
0x46: {  	_ =	shalt  }
0x47: {  	_ =	shalt  }
0x48: {  	_ =	shalt  }
0x49: {  	_ =	shalt  }
0x4a: {  	_ =	shalt  }
0x4b: {  	_ =	shalt  }
0x4c: {  	_ =	shalt  }
0x4d: {  	_ =	shalt  }
0x4e: {  	_ =	shalt  }
0x4f: {  	_ =	shalt  }
0x50: {  	_ =	shalt  }
0x51: {  	_ =	shalt  }
0x52: {  	_ =	shalt  }
0x53: {  	_ =	shalt  }
0x54: {  	_ =	shalt  }
0x55: {  	_ =	shalt  }
0x56: {  	_ =	shalt  }
0x57: {  	_ =	shalt  }
0x58: {  	_ =	shalt  }
0x59: {  	_ =	shalt  }
0x5a: {  	_ =	shalt  }
0x5b: {  	_ =	shalt  }
0x5c: {  	_ =	shalt  }
0x5d: {  	_ =	shalt  }
0x5e: {  	_ =	shalt  }
0x5f: {  	_ =	shalt  }
0x60: {  	_ =	shalt  }
0x61: {  	_ =	shalt  }
0x62: {  	_ =	shalt  }
0x63: {  	_ =	shalt  }
0x64: {  	_ =	shalt  }
0x65: {  	_ =	shalt  }
0x66: {  	_ =	shalt  }
0x67: {  	_ =	shalt  }
0x68: {  	_ =	shalt  }
0x69: {  	_ =	shalt  }
0x6a: {  	_ =	shalt  }
0x6b: {  	_ =	shalt  }
0x6c: {  	_ =	shalt  }
0x6d: {  	_ =	shalt  }
0x6e: {  	_ =	shalt  }
0x6f: {  	_ =	shalt  }
0x70: {  	_ =	shalt  }
0x71: {  	_ =	shalt  }
0x72: {  	_ =	shalt  }
0x73: {  	_ =	shalt  }
0x74: {  	_ =	shalt  }
0x75: {  	_ =	shalt  }
0x76: {  	_ =	shalt  }
0x77: {  	_ =	shalt  }
0x78: {  	_ =	shalt  }
0x79: {  	_ =	shalt  }
0x7a: {  	_ =	shalt  }
0x7b: {  	_ =	shalt  }
0x7c: {  	_ =	shalt  }
0x7d: {  	_ =	shalt  }
0x7e: {  	_ =	shalt  }
0x7f: {  	_ =	shalt  }
0x80: {  	_ =	shalt  }
0x81: {  	_ =	shalt  }
0x82: {  	_ =	shalt  }
0x83: {  	_ =	shalt  }
0x84: {  	_ =	shalt  }
0x85: {  	_ =	shalt  }
0x86: {  	_ =	shalt  }
0x87: {  	_ =	shalt  }
.Lfunc_end0:
.L_simem_size_0:
called_computation_lowered:
.L_overlay_start_0:
0x88: {  	s2 =	sld [smem:$0x3FD9]  }
0x89: {  	s3 =	sld [smem:$0x3FFE];
	_ =	sdelay $0x1  }
0x8a: {  	s1 =	srdreg.scid  }
0x8b: {  	s0 =	sand.u32 $0x1, s1  }
0x8c: {  	s17 =	sshll.u32 s0, $0xA;
	s2 =	sadd.s32 s3, s2  }
0x8d: {  	s2 =	sadd.s32 s2, s17  }
0x8e: {  	[smem:$0x3FC6] =	sst s2  }
0x8f: {  	_ = 	snop  }
0x90: {  	s2 =	sld [smem:$0x3FD0];
	(tm) =	ssettm $0x1  }
0x91: {  	s18 =	sld [smem:$0x3FFB];
	_ =	sdelay $0x3  }
0x92: {  	_ =	strace s18  }
0x93: {  	s3 =	sld [smem:$0x3FFC];
	_ =	sdelay $0x3  }
0x94: {  	_ =	strace s3  }
0x95: {  	s3 =	sld [smem:$0x3FFD];
	_ =	sdelay $0x3  }
0x96: {  	_ =	strace s3  }
0x97: {  	_ =	strace $0x8FFFFFFF  }
0x98: {  	s19 =	sld [smem:$0x3FDB];
	_ =	sdelay $0x1  }
0x99: {  	s4 =	simm.s32 $_scs_section_size  }
0x9a: {  	s5 =	simm.s32 $_size__tile_overlayer_lowered;
	s6 =	simm.s32 $_tile_overlayer_lowered  }
0x9b: {  	s22 =	simm.s32 $0x1BFF;
	s21 =	sshll.u32 s6, $0x1;
	s3 =	sadd.s32 s4, s19  }
0x9c: {  	s7 =	simm.s32 $0x0;
	s20 =	sshll.u32 s5, $0x1;
	s5 =	sadd.s32 s21, s3  }
0x9d: {  	[timem:s7], [sflag:s22] =	dma.local [hbm:s5], s20  }
0x9e: {  	_ =	swait.ge [sflag:s22], s20  }
0x9f: {  	s4 =	ssub.s32 $0x0, s20;
	[sflag:s22] =	ssyncset.done $0x0  }
0xa0: {  	[sflag:s22] =	ssyncadd.s32 s4;
	_ =	sdelay $0x1  }
0xa1: {  	s23 =	simm.s32 $0x1B8B  }
0xa2: {  	_ =	swait.ge [sflag:s23], $0x1  }
0xa3: {  	[sflag:s23] =	ssyncset.done $0x0  }
0xa4: {  	s25 =	simm.s32 $0x1B8E;
	s24 =	sld [smem:$0x3FFE];
	[sflag:s23] =	ssyncadd.s32 $0xFFFFFFFF  }
0xa5: {  	s26 =	simm.s32 $execute0_lowered;
	[smem:$0x3FD2] =	sst s25  }
0xa6: {  	s5 =	sshll.u32 s26, $0x1;
	_ =	strace $0x80000046;
	[dreg:$0x1] =	wrdreg $0xFFFFFFFF  }
0xa7: {  	s28 =	simm.s32 $_size_execute0_lowered;
	s3 =	sadd.s32 s3, s5;
	[dreg:$0x0] =	wrdreg $0x0  }
0xa8: {  	s5 =	sshll.u32 s28, $0x1;
	[dreg:$0x2] =	wrdreg s3  }
0xa9: {  	[dreg:$0x3] =	wrdreg s5  }
0xaa: {  	[dreg:$0x4] =	wrdreg $0xC0  }
0xab: {  	_ =	task [dreg:s7], $0x5FFFF  }
0xac: {  	[dreg:$0x1] =	wrdreg $0xFFFFFFFF  }
0xad: {  	[dreg:$0x0] =	wrdreg $0x60  }
0xae: {  	[dreg:$0x2] =	wrdreg s24  }
0xaf: {  	[dreg:$0x3] =	wrdreg s2  }
0xb0: {  	[dreg:$0x4] =	wrdreg $0x9  }
0xb1: {  	_ =	task.clear_ibuf [dreg:s7], $0x5FFFF;
	_ =	strace $0x90000046  }
0xb2: {  	s29 =	simm.s32 $0x9;
	_ =	strace $0x80000048  }
0xb3: {  	_ =	swait.ge [sflag:s29], $0x1  }
0xb4: {  	[sflag:s29] =	ssyncadd.s32 $0xFFFFFFFF  }
0xb5: {  	_ =	strace $0x90000048  }
0xb6: {  	_ =	sfence  }
0xb7: {  	s30 =	sld [smem:$0x0];
	_ =	sdelay $0x2  }
0xb8: {  	s31 =	sshll.u32 s1, $0xD;
	s1 =	sshrl.u32 s1, $0x2  }
0xb9: {  	s3 =	sand.u32 $0x4000, s31;
	s1 =	sadd.s32 s1, s30  }
0xba: {  	s0 =	sor.u32 s3, s0;
	s1 =	sshll.u32 s1, $0x11  }
0xbb: {  	s0 =	sor.u32 s1, s0  }
0xbc: {  	s0 =	sadd.s32 $0x8F2B, s0  }
0xbd: {  	[sflag:s0] =	ssyncadd.remote.s32 $0x1  }
0xbe: {  	_ =	sfence.sel $0xFFFF  }
0xbf: {  	[dreg:$0x0] =	wrdreg $0xFFFFFFFF;
	(pc) =	sbr.abs _section_cstart, $3  }
0xc0: {  	[dreg:$0x1] =	wrdreg $0xFFFFFFFF  }
0xc1: {  	_ =	task.clear_ibuf [dreg:s7], $0x2FFFF;
	_ =	strace $0x9FFFFFFF  }
0xc2: {  	(tm) =	ssettm $0x7FFFFFFF  }
0xc3: {  	_ =	shalt  }
tec
execute0_lowered:
.L_overlay_start_1:
0x0: {  	(tag) =	ssettag $0x1  }
0x1: {  	v0 =	vimm.s32 $0x2380;
	vm0 =	vcmask $0x300  }
0x2: {  	vm14 =	vcmask $0x704;
	v0 =	vsel vm0, $0x0, v0  }
0x3: {  	s0 =	rddreg [dreg:$0x0];
	vm15 =	vcmask $0xB08;
	v0 =	vsel vm14, $0x80, v0  }
0x4: {  	s1 =	rddreg [dreg:$0x1];
	vm4 =	vcmask $0xF0C;
	v0 =	vsel vm15, $0x100, v0  }
0x5: {  	s2 =	simm.s32 $0x0;
	s3 =	srdreg.scid;
	s5 =	stileid.u32;
	vm5 =	vcmask $0x1310;
	v0 =	vsel vm4, $0x180, v0  }
0x6: {  	vm6 =	vcmask $0x1714;
	s22 =	simm.s32 $0x3;
	s23 =	simm.s32 $0x11000;
	s25 =	simm.s32 $0x6;
	v0 =	vsel vm5, $0x200, v0  }
0x7: {  	vm7 =	vcmask $0x1B18;
	s28 =	simm.s32 $0x15000;
	[smem:$0x7FF] =	sst s2;
	s3 =	sand.u32 $0x1, s3;
	v0 =	vsel vm6, $0x280, v0  }
0x8: {  	vm8 =	vcmask $0x1F1C;
	s4 =	sadd.s32 $0x62200, s0;
	s6 =	sshll.u32 s5, $0x1;
	s5 =	sadd.s32 $0x600, s0;
	v0 =	vsel vm7, $0x300, v0  }
0x9: {  	vm9 =	vcmask $0x2320;
	s7 =	sadd.s32 $0xC3E00, s0;
	s14 =	sadd.s32 $0x30D400, s1;
	s6 =	sor.u32 s3, s6;
	v0 =	vsel vm8, $0x380, v0  }
0xa: {  	vm10 =	vcmask $0x2724;
	_ =	strace $0x80000047;
	s8 =	ssub.s32 $0x2, s3;
	s3 =	sshll.u32 s6, $0x7;
	v0 =	vsel vm9, $0x2000, v0  }
0xb: {  	vm11 =	vcmask $0x2B28;
	s9 =	sshrl.u32 s8, $0x1;
	s29 =	sadd.s32 s4, s3;
	s30 =	sadd.s32 s5, s3;
	v0 =	vsel vm10, $0x2080, v0  }
.Ltmp0:
0xc: {  	vm12 =	vcmask $0x2F2C;
	s3 =	sor.u32 $0x1000, s3;
	[dreg:$0x3] =	wrdreg s29;
	v0 =	vsel vm11, $0x2100, v0;
	(pc) =	sbr.rel .LBB2_1-.Ltmp0, $4  }
0xd: {  	vm13 =	vcmask $0x3330;
	s12 =	sor.u32 $0x40, s6;
	[dreg:$0x4] =	wrdreg s30;
	s31 =	sadd.s32 s4, s3;
	v0 =	vsel vm12, $0x2180, v0  }
0xe: {  	vm14 =	vcmask $0x3734;
	s26 =	ssub.s32 s8, s9;
	s3 =	sadd.s32 s5, s3;
	[dreg:$0x5] =	wrdreg s31;
	v0 =	vsel vm13, $0x2200, v0  }
0xf: {  	v1 =	vlaneseq.u32;
	s13 =	sor.u32 $0x60, s6;
	vm15 =	vcmask $0x3B38;
	s0 =	smax.u32 s26, $0x1;
	[dreg:$0x6] =	wrdreg s3;
	v2 =	vsel vm14, $0x2280, v0  }
0x10: {  	s26 =	simm.s32 $0x4;
	[dreg:$0x7] =	wrdreg s0;
	s3 =	simm.s32 $0x0;
	v0 =	vshrl.u32 v1, $0x2;
	v1 =	vsel vm15, $0x2300, v2  }
.LBB2_11:
0x11: {  	s0 =	simm.s32 $0x5  }
0x12: {  	_ =	swait.ge [sflag:s0], $0x2000  }
0x13: {  	[sflag:s0] =	ssyncset.done $0x0  }
0x14: {  	[sflag:s0] =	ssyncadd.s32 $0xFFFFE000  }
0x15: {  	_ =	swait.ge [sflag:s0], $0x2000  }
0x16: {  	[sflag:s0] =	ssyncset.done $0x0  }
0x17: {  	[sflag:s0] =	ssyncadd.s32 $0xFFFFE000  }
0x18: {  	_ =	swait.ge [sflag:s25], $0x2000  }
0x19: {  	[sflag:s25] =	ssyncset.done $0x0  }
0x1a: {  	[sflag:s25] =	ssyncadd.s32 $0xFFFFE000  }
0x1b: {  	_ =	swait.ge [sflag:s25], $0x2000  }
0x1c: {  	s3 =	rddreg [dreg:$0x8]  }
0x1d: {  	s31 =	rddreg [dreg:$0x7];
	s3 =	sadd.s32 $0x1, s3  }
0x1e: {  	p0 =	sne.s32 s3, s31  }
.Ltmp1:
0x1f: {  	_ = 	snop;
	(pc) =	sbr.rel @!p0 .LBB2_12-.Ltmp1, $3  }
0x20: {  	_ =	sdelay $0x1  }
0x21: {  	[sflag:s25] =	ssyncset.done $0x0  }
0x22: {  	[sflag:s25] =	ssyncadd.s32 $0xFFFFE000  }
.LBB2_1:
0x23: {  	[dreg:$0x8] =	wrdreg s3  }
0x24: {  	s0 =	rddreg [dreg:$0x3]  }
0x25: {  	[tilespmem:s2], [sflag:$0x1] =	stream.linear.gather [hbm4b:s0+s2], $0x400, $0x38;
	[tilespmem:$0x19000] =	vst v63  }
0x26: {  	s18 =	rddreg [dreg:$0x4];
	s19 =	simm.s32 $0x800;
	s20 =	simm.s32 $0x1  }
0x27: {  	[tilespmem:s19], [sflag:$0x1] =	stream.linear.gather [hbm4b:s18+s2], $0x400, $0x38;
	[tilespmem:$0x19000] =	vst v63  }
0x28: {  	_ =	swait.ge [sflag:s20], $0x400  }
0x29: {  	[sflag:s20] =	ssyncset.done $0x0  }
0x2a: {  	[sflag:s20] =	ssyncadd.s32 $0xFFFFFC00  }
0x2b: {  	_ =	swait.ge [sflag:s20], $0x400  }
0x2c: {  	[sflag:s20] =	ssyncset.done $0x0  }
0x2d: {  	s8 =	simm.s32 $0x400;
	s21 =	simm.s32 $0x1000;
	[sflag:s20] =	ssyncadd.s32 $0xFFFFFC00  }
0x2e: {  	[tilespmem:s21], [sflag:$0x3] =	stream.indirect.gather [hbm4b:s7+s8], $0x10, s2, s8, $0xb8;
	[tilespmem:$0x19000] =	vst v63  }
0x2f: {  	s24 =	simm.s32 $0x9000  }
0x30: {  	[tilespmem:s24], [sflag:$0x3] =	stream.indirect.gather [hbm4b:s7+s8], $0x10, s19, s8, $0xb8;
	[tilespmem:$0x19000] =	vst v63  }
.Ltmp2:
0x31: {  	_ = 	snop;
	(pc) =	sbr.rel .LBB2_2-.Ltmp2, $4  }
0x32: {  	s29 =	rddreg [dreg:$0x5]  }
0x33: {  	[tilespmem:s8], [sflag:$0x2] =	stream.linear.gather [hbm4b:s29+s2], $0x400, $0x38;
	[tilespmem:$0x19000] =	vst v63  }
0x34: {  	s31 =	simm.s32 $0xC00;
	s0 =	simm.s32 $0x0;
	s30 =	rddreg [dreg:$0x6]  }
0x35: {  	[tilespmem:s31], [sflag:$0x2] =	stream.linear.gather [hbm4b:s30+s2], $0x400, $0x38;
	[tilespmem:$0x19000] =	vst v63  }
.LBB2_10:
0x36: {  	s3 =	sadd.s32 s13, s3  }
0x37: {  	p0 =	sgt.u32 s3, $0xC34  }
0x38: {  	s3 =	sshll.u32 @!p0 s3, $0x7  }
0x39: {  	s9 =	simm.s32 @!p0 $0x0;
	s10 =	simm.s32 @!p0 $0x400;
	s8 =	sadd.s32 @!p0 s4, s3  }
0x3a: {  	[tilespmem:s10], [sflag:$0x2] =	stream.linear.gather @!p0 [hbm4b:s8+s9], $0x400, $0x38;
	[tilespmem:$0x19000] =	vst v63  }
0x3b: {  	s0 =	sadd.s32 $0x1, s0;
	s3 =	sadd.s32 @!p0 s5, s3;
	s8 =	simm.s32 @!p0 $0xC00  }
0x3c: {  	[tilespmem:s8], [sflag:$0x2] =	stream.linear.gather @!p0 [hbm4b:s3+s9], $0x400, $0x38;
	[tilespmem:$0x19000] =	vst v63  }
0x3d: {  	p0 =	sne.s32 s0, $0x31  }
.Ltmp3:
0x3e: {  	_ = 	snop;
	(pc) =	sbr.rel @!p0 .LBB2_11-.Ltmp3, $1  }
0x3f: {  	_ =	sdelay $0x3  }
.LBB2_2:
0x40: {  	s3 =	sshll.u32 s0, $0x6  }
0x41: {  	s20 =	sor.u32 s6, s3  }
0x42: {  	s19 =	sor.u32 $0x20, s20  }
0x43: {  	p0 =	sgt.u32 s19, $0xC34  }
0x44: {  	s8 =	simm.s32 @!p0 $0x2  }
0x45: {  	_ =	swait.ge @!p0 [sflag:s8], $0x400  }
0x46: {  	[sflag:s8] =	ssyncset.done @!p0 $0x0  }
0x47: {  	[sflag:s8] =	ssyncadd.s32 @!p0 $0xFFFFFC00  }
0x48: {  	_ =	swait.ge @!p0 [sflag:s8], $0x400  }
0x49: {  	[sflag:s8] =	ssyncset.done @!p0 $0x0  }
0x4a: {  	s9 =	simm.s32 @!p0 $0x5000;
	[sflag:s8] =	ssyncadd.s32 @!p0 $0xFFFFFC00;
	s8 =	simm.s32 @!p0 $0x400  }
0x4b: {  	[tilespmem:s9], [sflag:$0x4] =	stream.indirect.gather @!p0 [hbm4b:s7+s8], $0x10, s8, s8, $0xb8;
	[tilespmem:$0x19000] =	vst v63  }
0x4c: {  	p1 =	seq.s32 s0, $0x0;
	s10 =	simm.s32 @!p0 $0xD000;
	s9 =	simm.s32 @!p0 $0xC00  }
0x4d: {  	[tilespmem:s10], [sflag:$0x4] =	stream.indirect.gather @!p0 [hbm4b:s7+s8], $0x10, s9, s8, $0xb8;
	[tilespmem:$0x19000] =	vst v63  }
0x4e: {  	s8 =	simm.s32 @!p1 $0x5  }
0x4f: {  	_ =	swait.ge @!p1 [sflag:s8], $0x2000  }
0x50: {  	[sflag:s8] =	ssyncset.done @!p1 $0x0  }
0x51: {  	[sflag:s8] =	ssyncadd.s32 @!p1 $0xFFFFE000  }
0x52: {  	_ =	swait.ge @!p1 [sflag:s8], $0x2000  }
0x53: {  	[sflag:s8] =	ssyncset.done @!p1 $0x0  }
0x54: {  	[sflag:s8] =	ssyncadd.s32 @!p1 $0xFFFFE000  }
0x55: {  	_ =	swait.ge [sflag:s22], $0x4000  }
0x56: {  	[sflag:s22] =	ssyncset.done $0x0  }
0x57: {  	[sflag:s22] =	ssyncadd.s32 $0xFFFFC000  }
0x58: {  	_ =	swait.ge [sflag:s22], $0x4000  }
0x59: {  	[sflag:s22] =	ssyncset.done $0x0  }
0x5a: {  	s21 =	simm.s32 $0x1040;
	[sflag:s22] =	ssyncadd.s32 $0xFFFFC000  }
0x5b: {  	s8 =	simm.s32 $0x9040;
	v2 =	vld [tilespmem:s21+$0x30]  }
0x5c: {  	v3 =	vld [tilespmem:s8+$0x30]  }
0x5d: {  	v4 =	vld [tilespmem:s21+$0xFFFFFFC0]  }
0x5e: {  	s16 =	simm.s32 $0x1;
	v5 =	vld [tilespmem:s8+$0xFFFFFFC0]  }
0x5f: {  	s15 =	simm.s32 $0x7;
	s9 =	simm.s32 $0x0;
	s10 =	simm.s32 $0x0;
	v9 =	vld [tilespmem:s21+$0xFFFFFFD0]  }
0x60: {  	s15 =	sand.u32 $0x7F, s15;
	s11 =	sand.u32 $0x78, s10;
	s18 =	sand.u32 $0x1C00, s9;
	v10 =	vld [tilespmem:s8+$0xFFFFFFD0]  }
0x61: {  	s16 =	sand.u32 $0x79, s16;
	s11 =	sor.u32 s11, s18;
	s15 =	sor.u32 s15, s18  }
0x62: {  	s31 =	simm.s32 $0x3;
	s16 =	sor.u32 s16, s18;
	v13 =	vor.u32 s11, v1;
	v14 =	vor.u32 s15, v1;
	v15 =	vld [tilespmem:s21+$0xFFFFFFE0]  }
0x63: {  	s17 =	simm.s32 $0x2;
	v6 =	vor.u32 s16, v1;
	s11 =	sand.u32 $0x7B, s31;
	v16 =	vld [tilespmem:s8+$0xFFFFFFE0];
	v7 =	vmin.f32 v2, v3;
	v17 =	vmax.f32 v4, v5  }
0x64: {  	s17 =	sand.u32 $0x7A, s17;
	s16 =	simm.s32 $0x4;
	s11 =	sor.u32 s11, s18;
	v8 =	vld [tilespmem:s21+$0xFFFFFFF0];
	v4 =	vmin.f32 v4, v5;
	v2 =	vmax.f32 v2, v3;
	v12 =	vperm.xlane v7, v0  }
0x65: {  	s24 =	simm.s32 $0x5;
	s17 =	sor.u32 s17, s18;
	s15 =	sand.u32 $0x7C, s16;
	v11 =	vld [tilespmem:s8+$0xFFFFFFF0];
	v18 =	vmax.f32 v9, v10;
	v5 =	vor.u32 s11, v1;
	v3 =	vperm.xlane v4, v0  }
0x66: {  	s29 =	simm.s32 $0x6;
	s15 =	sor.u32 s15, s18;
	v7 =	vor.u32 s17, v1;
	s17 =	sand.u32 $0x7D, s24;
	v4 =	vmin.f32 v9, v10;
	v10 =	vld [tilespmem:s21+$0x0];
	v2 =	vmul.f32 v2, v12  }
0x67: {  	s30 =	sand.u32 $0x7E, s29;
	s31 =	sor.u32 s17, s18;
	v19 =	vperm.xlane v4, v0;
	v4 =	vor.u32 s15, v1;
	v17 =	vmul.f32 v17, v3;
	v12 =	vld [tilespmem:s8+$0x0]  }
0x68: {  	s11 =	sor.u32 s30, s18;
	v9 =	vld [tilespmem:s21+$0x10];
	v3 =	vor.u32 s31, v1;
	[tilespmem:v14+s23+$0x0] =	vst.idx.msk $0xffff, v2;
	v14 =	vmax.f32 v15, v16;
	v2 =	vmin.f32 v15, v16  }
0x69: {  	[tilespmem:v13+s23+$0x0] =	vst.idx.msk $0xffff, v17;
	v16 =	vmul.f32 v18, v19;
	v13 =	vld [tilespmem:s8+$0x10];
	v15 =	vperm.xlane v2, v0;
	v2 =	vor.u32 s11, v1  }
.LBB2_3:
0x6a: {  	s11 =	sadd.s32 $0x9, s10;
	v17 =	vmax.f32 v8, v11;
	v8 =	vmin.f32 v8, v11;
	v11 =	vld [tilespmem:s21+$0x20];
	s15 =	smov.u32 s10;
	s10 =	sadd.s32 $0x8, s10  }
0x6b: {  	s21 =	sadd.s32 $0x80, s21;
	s16 =	sadd.s32 $0xA, s15;
	s17 =	sadd.s32 $0xB, s15;
	[tilespmem:v6+s23+$0x0] =	vst.idx.msk $0xffff, v16;
	v6 =	vmul.f32 v14, v15;
	v8 =	vperm.xlane v8, v0;
	v14 =	vld [tilespmem:s8+$0x20]  }
0x6c: {  	s18 =	sadd.s32 $0xC, s15;
	s30 =	sadd.s32 $0xD, s15;
	s8 =	sadd.s32 $0x80, s8;
	v15 =	vld [tilespmem:s21+$0x30];
	v16 =	vmax.f32 v10, v12;
	v10 =	vmin.f32 v10, v12  }
0x6d: {  	s31 =	sand.u32 $0x78, s10;
	s11 =	sand.u32 $0x79, s11;
	s29 =	sadd.s32 $0xE, s15;
	v12 =	vld [tilespmem:s8+$0x30];
	[tilespmem:v7+s23+$0x0] =	vst.idx.msk $0xffff, v6;
	v6 =	vmul.f32 v17, v8;
	v7 =	vperm.xlane v10, v0  }
0x6e: {  	s16 =	sand.u32 $0x7A, s16;
	s17 =	sand.u32 $0x7B, s17;
	s18 =	sand.u32 $0x7C, s18;
	v8 =	vld [tilespmem:s21+$0xFFFFFFC0];
	v10 =	vmax.f32 v9, v13;
	v9 =	vmin.f32 v9, v13  }
0x6f: {  	s9 =	sadd.s32 $0x40, s9;
	s15 =	sadd.s32 $0xF, s15;
	s30 =	sand.u32 $0x7D, s30;
	v13 =	vld [tilespmem:s8+$0xFFFFFFC0];
	[tilespmem:v5+s23+$0x0] =	vst.idx.msk $0xffff, v6;
	v5 =	vmul.f32 v16, v7;
	v6 =	vperm.xlane v9, v0  }
0x70: {  	s24 =	sand.u32 $0x1C00, s9;
	s29 =	sand.u32 $0x7E, s29;
	s15 =	sand.u32 $0x7F, s15;
	v9 =	vld [tilespmem:s21+$0xFFFFFFD0];
	v7 =	vmax.f32 v11, v14;
	v11 =	vmin.f32 v11, v14  }
0x71: {  	s31 =	sor.u32 s31, s24;
	s11 =	sor.u32 s11, s24;
	s15 =	sor.u32 s15, s24;
	v14 =	vld [tilespmem:s8+$0xFFFFFFD0];
	[tilespmem:v4+s23+$0x0] =	vst.idx.msk $0xffff, v5;
	v4 =	vmul.f32 v10, v6;
	v5 =	vperm.xlane v11, v0  }
0x72: {  	s16 =	sor.u32 s16, s24;
	s17 =	sor.u32 s17, s24;
	s18 =	sor.u32 s18, s24;
	v18 =	vor.u32 s15, v1;
	v16 =	vor.u32 s31, v1;
	v17 =	vld [tilespmem:s21+$0xFFFFFFE0];
	v10 =	vmin.f32 v15, v12  }
0x73: {  	p2 =	slt.u32 s10, $0x3F8;
	s15 =	sor.u32 s29, s24;
	v6 =	vor.u32 s11, v1;
	s11 =	sor.u32 s30, s24;
	v19 =	vld [tilespmem:s8+$0xFFFFFFE0];
	v10 =	vperm.xlane v10, v0;
	[tilespmem:v3+s23+$0x0] =	vst.idx.msk $0xffff, v4;
	v3 =	vmul.f32 v7, v5  }
0x74: {  	v12 =	vmax.f32 v15, v12;
	v4 =	vmax.f32 v8, v13;
	v5 =	vmin.f32 v8, v13;
	v8 =	vld [tilespmem:s21+$0xFFFFFFF0]  }
.Ltmp4:
0x75: {  	v7 =	vor.u32 s16, v1;
	v13 =	vperm.xlane v5, v0;
	v11 =	vld [tilespmem:s8+$0xFFFFFFF0];
	v15 =	vmul.f32 v12, v10;
	[tilespmem:v2+s23+$0x0] =	vst.idx.msk $0xffff, v3;
	(pc) =	sbr.rel @p2 .LBB2_3-.Ltmp4, $4  }
0x76: {  	v5 =	vor.u32 s17, v1;
	v2 =	vmax.f32 v9, v14;
	v3 =	vmin.f32 v9, v14;
	v10 =	vld [tilespmem:s21+$0x0]  }
0x77: {  	v13 =	vmul.f32 v4, v13;
	v20 =	vperm.xlane v3, v0;
	v12 =	vld [tilespmem:s8+$0x0];
	v4 =	vor.u32 s18, v1;
	[tilespmem:v18+s23+$0x0] =	vst.idx.msk $0xffff, v15  }
0x78: {  	v3 =	vor.u32 s11, v1;
	v14 =	vmax.f32 v17, v19;
	v15 =	vmin.f32 v17, v19;
	v9 =	vld [tilespmem:s21+$0x10]  }
0x79: {  	[tilespmem:v16+s23+$0x0] =	vst.idx.msk $0xffff, v13;
	v16 =	vmul.f32 v2, v20;
	v15 =	vperm.xlane v15, v0;
	v13 =	vld [tilespmem:s8+$0x10];
	v2 =	vor.u32 s15, v1  }
0x7a: {  	_ = 	snop  }
0x7b: {  	v17 =	vld [tilespmem:s21+$0x20]  }
0x7c: {  	v18 =	vld [tilespmem:s8+$0x20]  }
0x7d: {  	v51 =	vmax.f32 v8, v11  }
0x7e: {  	v52 =	vmin.f32 v8, v11;
	[tilespmem:v6+s23+$0x0] =	vst.idx.msk $0xffff, v16;
	v53 =	vmul.f32 v14, v15  }
0x7f: {  	v8 =	vperm.xlane v52, v0;
	v54 =	vmax.f32 v10, v12;
	v55 =	vmin.f32 v10, v12  }
0x80: {  	[tilespmem:v7+s23+$0x0] =	vst.idx.msk $0xffff, v53;
	v56 =	vperm.xlane v55, v0;
	v57 =	vmin.f32 v9, v13  }
0x81: {  	v6 =	vmul.f32 v51, v8;
	v58 =	vperm.xlane v57, v0;
	v59 =	vmin.f32 v17, v18  }
0x82: {  	v60 =	vmax.f32 v9, v13;
	v7 =	vmul.f32 v54, v56;
	v10 =	vperm.xlane v59, v0  }
0x83: {  	[tilespmem:v5+s23+$0x0] =	vst.idx.msk $0xffff, v6;
	v61 =	vmax.f32 v17, v18;
	v62 =	vmul.f32 v60, v58  }
0x84: {  	[tilespmem:v4+s23+$0x0] =	vst.idx.msk $0xffff, v7;
	v63 =	vmul.f32 v61, v10  }
0x85: {  	s30 =	sshll.u32 s20, $0xA;
	[tilespmem:v3+s23+$0x0] =	vst.idx.msk $0xffff, v62  }
0x86: {  	s9 =	sadd.s32 s1, s30;
	[tilespmem:v2+s23+$0x0] =	vst.idx.msk $0xffff, v63  }
0x87: {  	[hbm4b:s9+s2] =	stream.linear.scatter [tilespmem:s23], [sflag:$0x5], $0x2000, $0x38;
	[tilespmem:$0x19000] =	vst v63  }
0x88: {  	s31 =	simm.s32 $0x13000;
	s8 =	sadd.s32 s30, s14  }
0x89: {  	[hbm4b:s8+s2] =	stream.linear.scatter [tilespmem:s31], [sflag:$0x5], $0x2000, $0x38;
	[tilespmem:$0x19000] =	vst v63  }
0x8a: {  	s8 =	sadd.s32 s12, s3  }
0x8b: {  	p2 =	sgt.u32 s8, $0xC34  }
0x8c: {  	s8 =	sshll.u32 @!p2 s8, $0x7  }
0x8d: {  	s10 =	simm.s32 @!p2 $0x0;
	s9 =	sadd.s32 @!p2 s4, s8  }
0x8e: {  	[tilespmem:s10], [sflag:$0x1] =	stream.linear.gather @!p2 [hbm4b:s9+s10], $0x400, $0x38;
	[tilespmem:$0x19000] =	vst v63  }
0x8f: {  	s8 =	sadd.s32 @!p2 s5, s8;
	s9 =	simm.s32 @!p2 $0x800  }
0x90: {  	[tilespmem:s9], [sflag:$0x1] =	stream.linear.gather @!p2 [hbm4b:s8+s10], $0x400, $0x38;
	[tilespmem:$0x19000] =	vst v63  }
0x91: {  	s8 =	simm.s32 @!p2 $0x1  }
0x92: {  	_ =	swait.ge @!p2 [sflag:s8], $0x400  }
0x93: {  	[sflag:s8] =	ssyncset.done @!p2 $0x0  }
0x94: {  	[sflag:s8] =	ssyncadd.s32 @!p2 $0xFFFFFC00  }
0x95: {  	_ =	swait.ge @!p2 [sflag:s8], $0x400  }
0x96: {  	[sflag:s8] =	ssyncset.done @!p2 $0x0  }
0x97: {  	s11 =	simm.s32 @!p2 $0x1000;
	[sflag:s8] =	ssyncadd.s32 @!p2 $0xFFFFFC00;
	s8 =	simm.s32 @!p2 $0x400  }
0x98: {  	[tilespmem:s11], [sflag:$0x3] =	stream.indirect.gather @!p2 [hbm4b:s7+s8], $0x10, s10, s8, $0xb8;
	[tilespmem:$0x19000] =	vst v63  }
0x99: {  	s10 =	simm.s32 @!p2 $0x9000  }
0x9a: {  	[tilespmem:s10], [sflag:$0x3] =	stream.indirect.gather @!p2 [hbm4b:s7+s8], $0x10, s9, s8, $0xb8;
	[tilespmem:$0x19000] =	vst v63  }
0x9b: {  	p2 =	sgt.u32 @!p1 s19, $0xC34  }
0x9c: {  	p1 =	por p1, p2  }
.Ltmp5:
0x9d: {  	_ = 	snop;
	(pc) =	sbr.rel @p1 .LBB2_6-.Ltmp5, $1  }
0x9e: {  	_ =	sdelay $0x3  }
0x9f: {  	_ =	swait.ge [sflag:s25], $0x2000  }
0xa0: {  	[sflag:s25] =	ssyncset.done $0x0  }
0xa1: {  	[sflag:s25] =	ssyncadd.s32 $0xFFFFE000  }
0xa2: {  	_ =	swait.ge [sflag:s25], $0x2000  }
0xa3: {  	[sflag:s25] =	ssyncset.done $0x0  }
0xa4: {  	[sflag:s25] =	ssyncadd.s32 $0xFFFFE000  }
.LBB2_7:
0xa5: {  	_ =	swait.ge [sflag:s26], $0x4000  }
0xa6: {  	[sflag:s26] =	ssyncset.done $0x0  }
0xa7: {  	[sflag:s26] =	ssyncadd.s32 $0xFFFFC000  }
0xa8: {  	_ =	swait.ge [sflag:s26], $0x4000  }
0xa9: {  	[sflag:s26] =	ssyncset.done $0x0  }
0xaa: {  	s8 =	simm.s32 $0x5040;
	[sflag:s26] =	ssyncadd.s32 $0xFFFFC000  }
0xab: {  	s20 =	simm.s32 $0xD040;
	v2 =	vld [tilespmem:s8+$0x30]  }
0xac: {  	v3 =	vld [tilespmem:s20+$0x30]  }
0xad: {  	v4 =	vld [tilespmem:s8+$0xFFFFFFC0]  }
0xae: {  	s9 =	simm.s32 $0x0;
	v5 =	vld [tilespmem:s20+$0xFFFFFFC0]  }
0xaf: {  	s10 =	simm.s32 $0x0;
	s11 =	simm.s32 $0x1;
	s16 =	simm.s32 $0x7;
	v9 =	vld [tilespmem:s8+$0xFFFFFFD0]  }
0xb0: {  	s15 =	sand.u32 $0x78, s10;
	s17 =	sand.u32 $0x1C00, s9;
	s16 =	sand.u32 $0x7F, s16;
	v10 =	vld [tilespmem:s20+$0xFFFFFFD0]  }
0xb1: {  	s11 =	sand.u32 $0x79, s11;
	s15 =	sor.u32 s15, s17;
	s16 =	sor.u32 s16, s17  }
0xb2: {  	s31 =	simm.s32 $0x3;
	s11 =	sor.u32 s11, s17;
	v13 =	vor.u32 s15, v1;
	v14 =	vor.u32 s16, v1;
	v15 =	vld [tilespmem:s8+$0xFFFFFFE0]  }
0xb3: {  	s18 =	simm.s32 $0x2;
	v6 =	vor.u32 s11, v1;
	s15 =	sand.u32 $0x7B, s31;
	v16 =	vld [tilespmem:s20+$0xFFFFFFE0];
	v7 =	vmin.f32 v2, v3;
	v17 =	vmax.f32 v4, v5  }
0xb4: {  	s18 =	sand.u32 $0x7A, s18;
	s16 =	simm.s32 $0x4;
	s15 =	sor.u32 s15, s17;
	v8 =	vld [tilespmem:s8+$0xFFFFFFF0];
	v4 =	vmin.f32 v4, v5;
	v2 =	vmax.f32 v2, v3;
	v12 =	vperm.xlane v7, v0  }
0xb5: {  	s21 =	simm.s32 $0x5;
	s18 =	sor.u32 s18, s17;
	s11 =	sand.u32 $0x7C, s16;
	v11 =	vld [tilespmem:s20+$0xFFFFFFF0];
	v18 =	vmax.f32 v9, v10;
	v5 =	vor.u32 s15, v1;
	v3 =	vperm.xlane v4, v0  }
0xb6: {  	s24 =	simm.s32 $0x6;
	s11 =	sor.u32 s11, s17;
	v7 =	vor.u32 s18, v1;
	s18 =	sand.u32 $0x7D, s21;
	v4 =	vmin.f32 v9, v10;
	v10 =	vld [tilespmem:s8+$0x0];
	v2 =	vmul.f32 v2, v12  }
0xb7: {  	s29 =	sand.u32 $0x7E, s24;
	s30 =	sor.u32 s18, s17;
	v19 =	vperm.xlane v4, v0;
	v4 =	vor.u32 s11, v1;
	v17 =	vmul.f32 v17, v3;
	v12 =	vld [tilespmem:s20+$0x0]  }
0xb8: {  	s31 =	sor.u32 s29, s17;
	v9 =	vld [tilespmem:s8+$0x10];
	v3 =	vor.u32 s30, v1;
	[tilespmem:v14+s28+$0x0] =	vst.idx.msk $0xffff, v2;
	v14 =	vmax.f32 v15, v16;
	v2 =	vmin.f32 v15, v16  }
0xb9: {  	[tilespmem:v13+s28+$0x0] =	vst.idx.msk $0xffff, v17;
	v16 =	vmul.f32 v18, v19;
	v13 =	vld [tilespmem:s20+$0x10];
	v15 =	vperm.xlane v2, v0;
	v2 =	vor.u32 s31, v1  }
.LBB2_8:
0xba: {  	s11 =	sadd.s32 $0x9, s10;
	v17 =	vmax.f32 v8, v11;
	v8 =	vmin.f32 v8, v11;
	v11 =	vld [tilespmem:s8+$0x20];
	s15 =	smov.u32 s10;
	s10 =	sadd.s32 $0x8, s10  }
0xbb: {  	s8 =	sadd.s32 $0x80, s8;
	s16 =	sadd.s32 $0xA, s15;
	s17 =	sadd.s32 $0xB, s15;
	[tilespmem:v6+s28+$0x0] =	vst.idx.msk $0xffff, v16;
	v6 =	vmul.f32 v14, v15;
	v8 =	vperm.xlane v8, v0;
	v14 =	vld [tilespmem:s20+$0x20]  }
0xbc: {  	s18 =	sadd.s32 $0xC, s15;
	s21 =	sadd.s32 $0xD, s15;
	s20 =	sadd.s32 $0x80, s20;
	v15 =	vld [tilespmem:s8+$0x30];
	v16 =	vmax.f32 v10, v12;
	v10 =	vmin.f32 v10, v12  }
0xbd: {  	s24 =	sand.u32 $0x78, s10;
	s11 =	sand.u32 $0x79, s11;
	s29 =	sadd.s32 $0xE, s15;
	v12 =	vld [tilespmem:s20+$0x30];
	[tilespmem:v7+s28+$0x0] =	vst.idx.msk $0xffff, v6;
	v6 =	vmul.f32 v17, v8;
	v7 =	vperm.xlane v10, v0  }
0xbe: {  	s16 =	sand.u32 $0x7A, s16;
	s17 =	sand.u32 $0x7B, s17;
	s18 =	sand.u32 $0x7C, s18;
	v8 =	vld [tilespmem:s8+$0xFFFFFFC0];
	v10 =	vmax.f32 v9, v13;
	v9 =	vmin.f32 v9, v13  }
0xbf: {  	s9 =	sadd.s32 $0x40, s9;
	s15 =	sadd.s32 $0xF, s15;
	s21 =	sand.u32 $0x7D, s21;
	v13 =	vld [tilespmem:s20+$0xFFFFFFC0];
	[tilespmem:v5+s28+$0x0] =	vst.idx.msk $0xffff, v6;
	v5 =	vmul.f32 v16, v7;
	v6 =	vperm.xlane v9, v0  }
0xc0: {  	s30 =	sand.u32 $0x1C00, s9;
	s29 =	sand.u32 $0x7E, s29;
	s15 =	sand.u32 $0x7F, s15;
	v9 =	vld [tilespmem:s8+$0xFFFFFFD0];
	v7 =	vmax.f32 v11, v14;
	v11 =	vmin.f32 v11, v14  }
0xc1: {  	s24 =	sor.u32 s24, s30;
	s11 =	sor.u32 s11, s30;
	s15 =	sor.u32 s15, s30;
	v14 =	vld [tilespmem:s20+$0xFFFFFFD0];
	[tilespmem:v4+s28+$0x0] =	vst.idx.msk $0xffff, v5;
	v4 =	vmul.f32 v10, v6;
	v5 =	vperm.xlane v11, v0  }
0xc2: {  	s16 =	sor.u32 s16, s30;
	s17 =	sor.u32 s17, s30;
	s18 =	sor.u32 s18, s30;
	v18 =	vor.u32 s15, v1;
	v16 =	vor.u32 s24, v1;
	v17 =	vld [tilespmem:s8+$0xFFFFFFE0];
	v10 =	vmin.f32 v15, v12  }
0xc3: {  	p0 =	slt.u32 s10, $0x3F8;
	s15 =	sor.u32 s29, s30;
	v6 =	vor.u32 s11, v1;
	s11 =	sor.u32 s21, s30;
	v19 =	vld [tilespmem:s20+$0xFFFFFFE0];
	v10 =	vperm.xlane v10, v0;
	[tilespmem:v3+s28+$0x0] =	vst.idx.msk $0xffff, v4;
	v3 =	vmul.f32 v7, v5  }
0xc4: {  	v12 =	vmax.f32 v15, v12;
	v4 =	vmax.f32 v8, v13;
	v5 =	vmin.f32 v8, v13;
	v8 =	vld [tilespmem:s8+$0xFFFFFFF0]  }
.Ltmp6:
0xc5: {  	v7 =	vor.u32 s16, v1;
	v13 =	vperm.xlane v5, v0;
	v11 =	vld [tilespmem:s20+$0xFFFFFFF0];
	v15 =	vmul.f32 v12, v10;
	[tilespmem:v2+s28+$0x0] =	vst.idx.msk $0xffff, v3;
	(pc) =	sbr.rel @p0 .LBB2_8-.Ltmp6, $4  }
0xc6: {  	v5 =	vor.u32 s17, v1;
	v2 =	vmax.f32 v9, v14;
	v3 =	vmin.f32 v9, v14;
	v10 =	vld [tilespmem:s8+$0x0]  }
0xc7: {  	v13 =	vmul.f32 v4, v13;
	v20 =	vperm.xlane v3, v0;
	v12 =	vld [tilespmem:s20+$0x0];
	v4 =	vor.u32 s18, v1;
	[tilespmem:v18+s28+$0x0] =	vst.idx.msk $0xffff, v15  }
0xc8: {  	v3 =	vor.u32 s11, v1;
	v14 =	vmax.f32 v17, v19;
	v15 =	vmin.f32 v17, v19;
	v9 =	vld [tilespmem:s8+$0x10]  }
0xc9: {  	[tilespmem:v16+s28+$0x0] =	vst.idx.msk $0xffff, v13;
	v16 =	vmul.f32 v2, v20;
	v15 =	vperm.xlane v15, v0;
	v13 =	vld [tilespmem:s20+$0x10];
	v2 =	vor.u32 s15, v1  }
0xca: {  	_ = 	snop  }
0xcb: {  	v17 =	vld [tilespmem:s8+$0x20]  }
0xcc: {  	v18 =	vld [tilespmem:s20+$0x20]  }
0xcd: {  	v51 =	vmax.f32 v8, v11  }
0xce: {  	v52 =	vmin.f32 v8, v11;
	[tilespmem:v6+s28+$0x0] =	vst.idx.msk $0xffff, v16;
	v53 =	vmul.f32 v14, v15  }
0xcf: {  	v8 =	vperm.xlane v52, v0;
	v54 =	vmax.f32 v10, v12;
	v55 =	vmin.f32 v10, v12  }
0xd0: {  	[tilespmem:v7+s28+$0x0] =	vst.idx.msk $0xffff, v53;
	v56 =	vperm.xlane v55, v0;
	v57 =	vmin.f32 v9, v13  }
0xd1: {  	v6 =	vmul.f32 v51, v8;
	v58 =	vperm.xlane v57, v0;
	v59 =	vmin.f32 v17, v18  }
0xd2: {  	v60 =	vmax.f32 v9, v13;
	v7 =	vmul.f32 v54, v56;
	v10 =	vperm.xlane v59, v0  }
0xd3: {  	[tilespmem:v5+s28+$0x0] =	vst.idx.msk $0xffff, v6;
	v61 =	vmax.f32 v17, v18;
	v62 =	vmul.f32 v60, v58  }
0xd4: {  	[tilespmem:v4+s28+$0x0] =	vst.idx.msk $0xffff, v7;
	v63 =	vmul.f32 v61, v10  }
.Ltmp7:
0xd5: {  	s30 =	sshll.u32 s19, $0xA;
	[tilespmem:v3+s28+$0x0] =	vst.idx.msk $0xffff, v62;
	(pc) =	sbr.rel .LBB2_10-.Ltmp7, $4  }
0xd6: {  	s9 =	sadd.s32 s1, s30;
	[tilespmem:v2+s28+$0x0] =	vst.idx.msk $0xffff, v63  }
0xd7: {  	[hbm4b:s9+s2] =	stream.linear.scatter [tilespmem:s28], [sflag:$0x6], $0x2000, $0x38;
	[tilespmem:$0x19000] =	vst v63  }
0xd8: {  	s31 =	simm.s32 $0x17000;
	s8 =	sadd.s32 s30, s14  }
0xd9: {  	[hbm4b:s8+s2] =	stream.linear.scatter [tilespmem:s31], [sflag:$0x6], $0x2000, $0x38;
	[tilespmem:$0x19000] =	vst v63  }
.LBB2_6:
.Ltmp8:
0xda: {  	(pc) =	sbr.rel @p0 .LBB2_10-.Ltmp8, $4  }
.Ltmp9:
0xdb: {  	(pc) =	sbr.rel @!p0 .LBB2_7-.Ltmp9, $4  }
0xdc: {  	_ = 	snop  }
0xdd: {  	_ = 	snop  }
0xde: {  	_ = 	snop  }
0xdf: {  	_ = 	snop  }
.LBB2_12:
0xe0: {  	_ =	sfence.sel $0x180000  }
0xe1: {  	[bflag:$0x0] =	sbarrier.arrive $0xFFFF  }
0xe2: {  	_ =	strace $0x90000047  }
0xe3: {  	s0 =	stileid.u32;
	[bflag:$0x2] =	sbarrier.arrive $0xFFFF  }
0xe4: {  	p0 =	sne.s32 s0, $0x0;
	s0 =	rddreg [dreg:$0x2]  }
0xe5: {  	s0 =	sadd.s32 @!p0 $0x100000, s0  }
0xe6: {  	[sflag:s0] =	ssyncadd.tile.s32 @!p0 $0x1;
	_ =	shalt  }
.Lfunc_end2:
_tile_overlayer_lowered:
.L_overlay_start_2:
0xe7: {  	(tag) =	ssettag $0x2  }
0xe8: {  	s0 =	rddreg [dreg:$0x0];
	s2 =	stileid.u32  }
0xe9: {  	s1 =	rddreg [dreg:$0x1];
	p0 =	sne.s32 s2, $0x0  }
0xea: {  	s3 =	rddreg [dreg:$0x2];
	[bflag:$0x3] =	sbarrier.arrive $0xFFFF;
	s2 =	simm.s32 @!p0 $0x1C07  }
0xeb: {  	[timem:s3], [sflag:s2] =	dma.local @!p0 [hbm:s0], s1  }
0xec: {  	s0 =	simm.s32 @!p0 $0x7  }
0xed: {  	_ =	swait.ge @!p0 [sflag:s0], s1  }
0xee: {  	s1 =	ssub.s32 @!p0 $0x0, s1;
	[sflag:s0] =	ssyncset.done @!p0 $0x0  }
0xef: {  	[sflag:s0] =	ssyncadd.s32 @!p0 s1  }
0xf0: {  	[bflag:$0x3] =	sbarrier.arrive $0xFFFF  }
0xf1: {  	_ =	shalt  }

</sc_bundles>
